<compile_context>
chip_gen: v7x
topology: tpu7x:2x2x1
jax: 0.10.2.dev20260603
libtpu: 0.0.44.dev20260713+nightly
codegen_flags: <defaults>
</compile_context>

<pallas_src>
import functools

import jax
import jax.numpy as jnp
from jax import lax
from jax.experimental import pallas as pl
from jax.experimental.pallas import tpu as pltpu
from jax.experimental.pallas import tpu_sc as plsc

_ZROWS, _ZCOLS = 16384, 1024
_NW = 32
_RPW = _ZROWS // _NW
_ZCH = 32
_NCH = _RPW // _ZCH

_XGRID = 32
_XBLK = 262144 // _XGRID


def _make_z_sc():
    mesh = plsc.VectorSubcoreMesh(core_axis_name="c", subcore_axis_name="s",
                                  num_cores=2, num_subcores=16)

    @functools.partial(
        pl.kernel, mesh=mesh,
        out_type=jax.ShapeDtypeStruct((_ZROWS, _ZCOLS), jnp.float32),
        scratch_types=[
            pltpu.VMEM((_ZCH, _ZCOLS), jnp.float32),
            pltpu.VMEM((_ZCH, _ZCOLS), jnp.float32),
            pltpu.VMEM((2, 16), jnp.float32),
            pltpu.SemaphoreType.DMA((2,)),
            pltpu.SemaphoreType.DMA((2,)),
            pltpu.SemaphoreType.DMA,
        ],
    )
    def z_sc_kernel(z_hbm, w_hbm, zo_hbm, buf0, buf1, w_v, sem_i, sem_o, sem_w):
        wid = lax.axis_index("s") * 2 + lax.axis_index("c")
        base = wid * _RPW
        bufs = (buf0, buf1)

        @pl.when(wid == 0)
        def _load_w():
            pltpu.async_copy(w_hbm, w_v, sem_w).wait()

        def _patch(b):
            b[0, 0:16] = b[0, 0:16] + w_v[0, 0:16]
            b[1, 0:16] = b[1, 0:16] + w_v[1, 0:16]

        in_h = [None] * _NCH
        out_h = [None] * _NCH
        for c in range(_NCH):
            j = c % 2
            if c >= 2:
                out_h[c - 2].wait()
            in_h[c] = pltpu.async_copy(
                z_hbm.at[pl.ds(base + c * _ZCH, _ZCH)], bufs[j], sem_i.at[j])
            if c >= 1:
                p = c - 1
                in_h[p].wait()
                if p == 0:
                    @pl.when(wid == 0)
                    def _():
                        _patch(bufs[0])
                out_h[p] = pltpu.async_copy(
                    bufs[p % 2], zo_hbm.at[pl.ds(base + p * _ZCH, _ZCH)],
                    sem_o.at[p % 2])
        p = _NCH - 1
        in_h[p].wait()
        out_h[p] = pltpu.async_copy(
            bufs[p % 2], zo_hbm.at[pl.ds(base + p * _ZCH, _ZCH)],
            sem_o.at[p % 2])
        out_h[p - 1].wait()
        out_h[p].wait()

    return z_sc_kernel


_Z_SC = _make_z_sc()


def _x_kernel(x_ref, y_ref, xo_ref):
    i = pl.program_id(0)
    xo_ref[...] = x_ref[...]

    @pl.when(i == 0)
    def _fixup():
        xb = x_ref[0:16, :]
        rows = jax.lax.broadcasted_iota(jnp.int32, xb.shape, 0)
        xb = jnp.where(rows == 10, y_ref[0:1, :], xb)
        xb = jnp.where(rows == 2, y_ref[1:2, :], xb)
        xb = jnp.where(rows == 1, jnp.float32(45.0), xb)
        xo_ref[0:16, :] = xb


def kernel(x, y, z, w):
    upd = jnp.zeros((2, 16), jnp.float32)
    upd = upd.at[0, 1].set(w[2]).at[0, 2].set(w[1]).at[1, 3].set(w[0])
    z_out = _Z_SC(z, upd)
    x_out = pl.pallas_call(
        _x_kernel,
        grid=(_XGRID,),
        in_specs=[
            pl.BlockSpec((_XBLK, x.shape[1]), lambda i: (i, 0)),
            pl.BlockSpec((2, x.shape[1]), lambda i: (0, 0)),
        ],
        out_specs=pl.BlockSpec((_XBLK, x.shape[1]), lambda i: (i, 0)),
        out_shape=jax.ShapeDtypeStruct(x.shape, x.dtype),
        compiler_params=pltpu.CompilerParams(dimension_semantics=("parallel",)),
    )(x, y)
    return (x_out, z_out)

# --- scband reference (transcript-rebuilt; emitter-appended) ---
"""Pipeline reference for scband-model-8753143349592 (READ-ONLY COPY).

The authoritative reference and input builder live on the scoring server;
editing this copy changes nothing except your own understanding.
"""

import jax, jax.numpy as jnp
import numpy as np

def setup_inputs(seed: int = 0) -> dict:
    key = jax.random.key(seed)
    k1, k2, k3, k4 = jax.random.split(key, 4)
    x = jax.random.normal(k1, (262144, 256), dtype=jnp.float32)
    y = jax.random.normal(k2, (2, 256), dtype=jnp.float32)
    z = jax.random.normal(k3, (16384, 1024), dtype=jnp.float32)
    w = jax.random.normal(k4, (3,), dtype=jnp.float32)
    return {"x": x, "y": y, "z": z, "w": w}

def reference(x, y, z, w):
    # x = x.clone(); x.index_put_([tensor([10,2])], y, accumulate=False)
    idx_x = jnp.array([10, 2], dtype=jnp.int32)
    x = x.at[idx_x].set(y)
    # z = z.clone(); z.index_put_([tensor([1,0,0]), tensor([3,2,1])], w, accumulate=True)
    i0 = jnp.array([1, 0, 0], dtype=jnp.int32)
    i1 = jnp.array([3, 2, 1], dtype=jnp.int32)
    z = z.at[(i0, i1)].add(w)
    # x[tensor([1])] = 45.0
    x = x.at[jnp.array([1], dtype=jnp.int32)].set(jnp.float32(45.0))
    # x[tensor([], dtype=int64)] = 233.0  -> no-op (empty index set)
    return (x, z)

if __name__ == "__main__":
    import jax
    _d = setup_inputs()
    print(jax.jit(kernel)(*tuple(_d.values())))

</pallas_src>

<mosaic_0001>
#map = affine_map<(d0, d1) -> (0, 0)>
module attributes {stable_mosaic.version = 14 : i64} {
  func.func @z_sc_kernel(%arg0: i32, %arg1: i32, %arg2: memref<16384x1024xf32, #tpu.memory_space<hbm>>, %arg3: memref<2x16xf32, #tpu.memory_space<hbm>>, %arg4: memref<16384x1024xf32, #tpu.memory_space<hbm>>, %arg5: memref<32x1024xf32, #tpu.memory_space<vmem>>, %arg6: memref<32x1024xf32, #tpu.memory_space<vmem>>, %arg7: memref<2x16xf32, #tpu.memory_space<vmem>>, %arg8: memref<2x!tpu.dma_semaphore, #tpu.memory_space<semaphore_mem>>, %arg9: memref<2x!tpu.dma_semaphore, #tpu.memory_space<semaphore_mem>>, %arg10: memref<!tpu.dma_semaphore, #tpu.memory_space<semaphore_mem>>) attributes {dimension_semantics = [#tpu.dimension_semantics<core_parallel>, #tpu.dimension_semantics<subcore_parallel>], iteration_bounds = array<i64: 2, 16>, scalar_prefetch = 0 : i64, scratch_operands = 6 : i64, tpu.core_type = #tpu.core_type<sc_vector_subcore>, window_params = [{transform_indices = #map}, {transform_indices = #map}, {transform_indices = #map}]} {
    %mul3A = arith.constant 2 : i32
    %mul3A_0 = arith.muli %arg1, %mul3A : i32
    %add3A = arith.addi %mul3A_0, %arg0 : i32
    %mul3A_1 = arith.constant 512 : i32
    %mul3A_2 = arith.muli %add3A, %mul3A_1 : i32
    %eq3A = arith.constant 0 : i32
    %eq3A_3 = arith.cmpi eq, %add3A, %eq3A : i32
    %convert_element_type3A = arith.extui %eq3A_3 : i1 to i32
    %cond3A = arith.constant 0 : i32
    %cond3A_4 = arith.cmpi ne, %convert_element_type3A, %cond3A : i32
    scf.if %cond3A_4 {
      tpu.enqueue_dma source(%arg3 : memref<2x16xf32, #tpu.memory_space<hbm>>) target(%arg7 : memref<2x16xf32, #tpu.memory_space<vmem>>) target_semaphore(%arg10 : memref<!tpu.dma_semaphore, #tpu.memory_space<semaphore_mem>>)
      tpu.wait_dma2 semaphore(%arg10 : memref<!tpu.dma_semaphore, #tpu.memory_space<semaphore_mem>>) src(%arg3 : memref<2x16xf32, #tpu.memory_space<hbm>>) dst(%arg7 : memref<2x16xf32, #tpu.memory_space<vmem>>)
    } else {
    }
    %add3A_5 = arith.constant 0 : i32
    %add3A_6 = arith.addi %mul3A_2, %add3A_5 : i32
    %dma_start3A = arith.constant 0 : i32
    %dma_start3A_7 = arith.constant 0 : i32
    %dma_start3A_8 = tpu.memref_slice %arg2[%add3A_6, %dma_start3A_7] : memref<16384x1024xf32, #tpu.memory_space<hbm>> -> memref<32x1024xf32, #tpu.memory_space<hbm>>
    %dma_start3A_9 = tpu.memref_slice %arg8[%dma_start3A] : memref<2x!tpu.dma_semaphore, #tpu.memory_space<semaphore_mem>> -> memref<1x!tpu.dma_semaphore, #tpu.memory_space<semaphore_mem>>
    %dma_start3A_10 = tpu.memref_squeeze %dma_start3A_9 : memref<1x!tpu.dma_semaphore, #tpu.memory_space<semaphore_mem>> -> memref<!tpu.dma_semaphore, #tpu.memory_space<semaphore_mem>>
    %dma_start3A_11 = arith.constant 0 : i32
    %dma_start3A_12 = tpu.memref_slice %arg2[%add3A_6, %dma_start3A_11] : memref<16384x1024xf32, #tpu.memory_space<hbm>> -> memref<32x1024xf32, #tpu.memory_space<hbm>>
    tpu.enqueue_dma source(%dma_start3A_12 : memref<32x1024xf32, #tpu.memory_space<hbm>>) target(%arg5 : memref<32x1024xf32, #tpu.memory_space<vmem>>) target_semaphore(%dma_start3A_10 : memref<!tpu.dma_semaphore, #tpu.memory_space<semaphore_mem>>)
    %add3A_13 = arith.constant 32 : i32
    %add3A_14 = arith.addi %mul3A_2, %add3A_13 : i32
    %dma_start3A_15 = arith.constant 1 : i32
    %dma_start3A_16 = arith.constant 0 : i32
    %dma_start3A_17 = tpu.memref_slice %arg2[%add3A_14, %dma_start3A_16] : memref<16384x1024xf32, #tpu.memory_space<hbm>> -> memref<32x1024xf32, #tpu.memory_space<hbm>>
    %dma_start3A_18 = tpu.memref_slice %arg8[%dma_start3A_15] : memref<2x!tpu.dma_semaphore, #tpu.memory_space<semaphore_mem>> -> memref<1x!tpu.dma_semaphore, #tpu.memory_space<semaphore_mem>>
    %dma_start3A_19 = tpu.memref_squeeze %dma_start3A_18 : memref<1x!tpu.dma_semaphore, #tpu.memory_space<semaphore_mem>> -> memref<!tpu.dma_semaphore, #tpu.memory_space<semaphore_mem>>
    %dma_start3A_20 = arith.constant 0 : i32
    %dma_start3A_21 = tpu.memref_slice %arg2[%add3A_14, %dma_start3A_20] : memref<16384x1024xf32, #tpu.memory_space<hbm>> -> memref<32x1024xf32, #tpu.memory_space<hbm>>
    tpu.enqueue_dma source(%dma_start3A_21 : memref<32x1024xf32, #tpu.memory_space<hbm>>) target(%arg6 : memref<32x1024xf32, #tpu.memory_space<vmem>>) target_semaphore(%dma_start3A_19 : memref<!tpu.dma_semaphore, #tpu.memory_space<semaphore_mem>>)
    %dma_wait3A = arith.constant 0 : i32
    %dma_wait3A_22 = arith.constant 0 : i32
    %dma_wait3A_23 = tpu.memref_slice %arg2[%add3A_6, %dma_wait3A_22] : memref<16384x1024xf32, #tpu.memory_space<hbm>> -> memref<32x1024xf32, #tpu.memory_space<hbm>>
    %dma_wait3A_24 = tpu.memref_slice %arg8[%dma_wait3A] : memref<2x!tpu.dma_semaphore, #tpu.memory_space<semaphore_mem>> -> memref<1x!tpu.dma_semaphore, #tpu.memory_space<semaphore_mem>>
    %dma_wait3A_25 = tpu.memref_squeeze %dma_wait3A_24 : memref<1x!tpu.dma_semaphore, #tpu.memory_space<semaphore_mem>> -> memref<!tpu.dma_semaphore, #tpu.memory_space<semaphore_mem>>
    %dma_wait3A_26 = arith.constant 0 : i32
    %dma_wait3A_27 = tpu.memref_slice %arg2[%add3A_6, %dma_wait3A_26] : memref<16384x1024xf32, #tpu.memory_space<hbm>> -> memref<32x1024xf32, #tpu.memory_space<hbm>>
    tpu.wait_dma2 semaphore(%dma_wait3A_25 : memref<!tpu.dma_semaphore, #tpu.memory_space<semaphore_mem>>) src(%dma_wait3A_27 : memref<32x1024xf32, #tpu.memory_space<hbm>>) dst(%arg5 : memref<32x1024xf32, #tpu.memory_space<vmem>>)
    %eq3A_28 = arith.constant 0 : i32
    %eq3A_29 = arith.cmpi eq, %add3A, %eq3A_28 : i32
    %convert_element_type3A_30 = arith.extui %eq3A_29 : i1 to i32
    %cond3A_31 = arith.constant 0 : i32
    %cond3A_32 = arith.cmpi ne, %convert_element_type3A_30, %cond3A_31 : i32
    scf.if %cond3A_32 {
      %get3A = arith.constant 0 : i32
      %get3A_520 = arith.index_cast %get3A : i32 to index
      %get3A_521 = arith.constant 0 : index
      %get3A_522 = tpu.vector_load %arg5[%get3A_520, %get3A_521] {strides = array<i32>} : memref<32x1024xf32, #tpu.memory_space<vmem>>, vector<1x16xf32>,
      %get3A_523 = vector.shape_cast %get3A_522 : vector<1x16xf32> to vector<16xf32>
      %get3A_524 = arith.constant 0 : i32
      %get3A_525 = arith.index_cast %get3A_524 : i32 to index
      %get3A_526 = arith.constant 0 : index
      %get3A_527 = tpu.vector_load %arg7[%get3A_525, %get3A_526] {strides = array<i32>} : memref<2x16xf32, #tpu.memory_space<vmem>>, vector<1x16xf32>,
      %get3A_528 = vector.shape_cast %get3A_527 : vector<1x16xf32> to vector<16xf32>
      %add3A_529 = arith.addf %get3A_523, %get3A_528 : vector<16xf32>
      %swap3A = arith.constant 0 : i32
      %swap3A_530 = arith.index_cast %swap3A : i32 to index
      %swap3A_531 = arith.constant 0 : index
      %swap3A_532 = tpu.vector_load %arg5[%swap3A_530, %swap3A_531] {strides = array<i32>} : memref<32x1024xf32, #tpu.memory_space<vmem>>, vector<1x16xf32>,
      %swap3A_533 = vector.shape_cast %swap3A_532 : vector<1x16xf32> to vector<16xf32>
      %swap3A_534 = vector.shape_cast %add3A_529 : vector<16xf32> to vector<1x16xf32>
      tpu.vector_store %arg5[%swap3A_530, %swap3A_531], %swap3A_534 {strides = array<i32>} : memref<32x1024xf32, #tpu.memory_space<vmem>>, vector<1x16xf32>,
      %get3A_535 = arith.constant 1 : i32
      %get3A_536 = arith.index_cast %get3A_535 : i32 to index
      %get3A_537 = arith.constant 0 : index
      %get3A_538 = tpu.vector_load %arg5[%get3A_536, %get3A_537] {strides = array<i32>} : memref<32x1024xf32, #tpu.memory_space<vmem>>, vector<1x16xf32>,
      %get3A_539 = vector.shape_cast %get3A_538 : vector<1x16xf32> to vector<16xf32>
      %get3A_540 = arith.constant 1 : i32
      %get3A_541 = arith.index_cast %get3A_540 : i32 to index
      %get3A_542 = arith.constant 0 : index
      %get3A_543 = tpu.vector_load %arg7[%get3A_541, %get3A_542] {strides = array<i32>} : memref<2x16xf32, #tpu.memory_space<vmem>>, vector<1x16xf32>,
      %get3A_544 = vector.shape_cast %get3A_543 : vector<1x16xf32> to vector<16xf32>
      %add3A_545 = arith.addf %get3A_539, %get3A_544 : vector<16xf32>
      %swap3A_546 = arith.constant 1 : i32
      %swap3A_547 = arith.index_cast %swap3A_546 : i32 to index
      %swap3A_548 = arith.constant 0 : index
      %swap3A_549 = tpu.vector_load %arg5[%swap3A_547, %swap3A_548] {strides = array<i32>} : memref<32x1024xf32, #tpu.memory_space<vmem>>, vector<1x16xf32>,
      %swap3A_550 = vector.shape_cast %swap3A_549 : vector<1x16xf32> to vector<16xf32>
      %swap3A_551 = vector.shape_cast %add3A_545 : vector<16xf32> to vector<1x16xf32>
      tpu.vector_store %arg5[%swap3A_547, %swap3A_548], %swap3A_551 {strides = array<i32>} : memref<32x1024xf32, #tpu.memory_space<vmem>>, vector<1x16xf32>,
    } else {
    }
    %add3A_33 = arith.constant 0 : i32
    %add3A_34 = arith.addi %mul3A_2, %add3A_33 : i32
    %dma_start3A_35 = arith.constant 0 : i32
    %dma_start3A_36 = arith.constant 0 : i32
    %dma_start3A_37 = tpu.memref_slice %arg4[%add3A_34, %dma_start3A_36] : memref<16384x1024xf32, #tpu.memory_space<hbm>> -> memref<32x1024xf32, #tpu.memory_space<hbm>>
    %dma_start3A_38 = tpu.memref_slice %arg9[%dma_start3A_35] : memref<2x!tpu.dma_semaphore, #tpu.memory_space<semaphore_mem>> -> memref<1x!tpu.dma_semaphore, #tpu.memory_space<semaphore_mem>>
    %dma_start3A_39 = tpu.memref_squeeze %dma_start3A_38 : memref<1x!tpu.dma_semaphore, #tpu.memory_space<semaphore_mem>> -> memref<!tpu.dma_semaphore, #tpu.memory_space<semaphore_mem>>
    %dma_start3A_40 = arith.constant 0 : i32
    %dma_start3A_41 = tpu.memref_slice %arg4[%add3A_34, %dma_start3A_40] : memref<16384x1024xf32, #tpu.memory_space<hbm>> -> memref<32x1024xf32, #tpu.memory_space<hbm>>
    tpu.enqueue_dma source(%arg5 : memref<32x1024xf32, #tpu.memory_space<vmem>>) target(%dma_start3A_41 : memref<32x1024xf32, #tpu.memory_space<hbm>>) target_semaphore(%dma_start3A_39 : memref<!tpu.dma_semaphore, #tpu.memory_space<semaphore_mem>>)
    %dma_wait3A_42 = arith.constant 0 : i32
    %dma_wait3A_43 = arith.constant 0 : i32
    %dma_wait3A_44 = tpu.memref_slice %arg4[%add3A_34, %dma_wait3A_43] : memref<16384x1024xf32, #tpu.memory_space<hbm>> -> memref<32x1024xf32, #tpu.memory_space<hbm>>
    %dma_wait3A_45 = tpu.memref_slice %arg9[%dma_wait3A_42] : memref<2x!tpu.dma_semaphore, #tpu.memory_space<semaphore_mem>> -> memref<1x!tpu.dma_semaphore, #tpu.memory_space<semaphore_mem>>
    %dma_wait3A_46 = tpu.memref_squeeze %dma_wait3A_45 : memref<1x!tpu.dma_semaphore, #tpu.memory_space<semaphore_mem>> -> memref<!tpu.dma_semaphore, #tpu.memory_space<semaphore_mem>>
    %dma_wait3A_47 = arith.constant 0 : i32
    %dma_wait3A_48 = tpu.memref_slice %arg4[%add3A_34, %dma_wait3A_47] : memref<16384x1024xf32, #tpu.memory_space<hbm>> -> memref<32x1024xf32, #tpu.memory_space<hbm>>
    tpu.wait_dma2 semaphore(%dma_wait3A_46 : memref<!tpu.dma_semaphore, #tpu.memory_space<semaphore_mem>>) src(%arg5 : memref<32x1024xf32, #tpu.memory_space<vmem>>) dst(%dma_wait3A_48 : memref<32x1024xf32, #tpu.memory_space<hbm>>)
    %add3A_49 = arith.constant 64 : i32
    %add3A_50 = arith.addi %mul3A_2, %add3A_49 : i32
    %dma_start3A_51 = arith.constant 0 : i32
    %dma_start3A_52 = arith.constant 0 : i32
    %dma_start3A_53 = tpu.memref_slice %arg2[%add3A_50, %dma_start3A_52] : memref<16384x1024xf32, #tpu.memory_space<hbm>> -> memref<32x1024xf32, #tpu.memory_space<hbm>>
    %dma_start3A_54 = tpu.memref_slice %arg8[%dma_start3A_51] : memref<2x!tpu.dma_semaphore, #tpu.memory_space<semaphore_mem>> -> memref<1x!tpu.dma_semaphore, #tpu.memory_space<semaphore_mem>>
    %dma_start3A_55 = tpu.memref_squeeze %dma_start3A_54 : memref<1x!tpu.dma_semaphore, #tpu.memory_space<semaphore_mem>> -> memref<!tpu.dma_semaphore, #tpu.memory_space<semaphore_mem>>
    %dma_start3A_56 = arith.constant 0 : i32
    %dma_start3A_57 = tpu.memref_slice %arg2[%add3A_50, %dma_start3A_56] : memref<16384x1024xf32, #tpu.memory_space<hbm>> -> memref<32x1024xf32, #tpu.memory_space<hbm>>
    tpu.enqueue_dma source(%dma_start3A_57 : memref<32x1024xf32, #tpu.memory_space<hbm>>) target(%arg5 : memref<32x1024xf32, #tpu.memory_space<vmem>>) target_semaphore(%dma_start3A_55 : memref<!tpu.dma_semaphore, #tpu.memory_space<semaphore_mem>>)
    %dma_wait3A_58 = arith.constant 1 : i32
    %dma_wait3A_59 = arith.constant 0 : i32
    %dma_wait3A_60 = tpu.memref_slice %arg2[%add3A_14, %dma_wait3A_59] : memref<16384x1024xf32, #tpu.memory_space<hbm>> -> memref<32x1024xf32, #tpu.memory_space<hbm>>
    %dma_wait3A_61 = tpu.memref_slice %arg8[%dma_wait3A_58] : memref<2x!tpu.dma_semaphore, #tpu.memory_space<semaphore_mem>> -> memref<1x!tpu.dma_semaphore, #tpu.memory_space<semaphore_mem>>
    %dma_wait3A_62 = tpu.memref_squeeze %dma_wait3A_61 : memref<1x!tpu.dma_semaphore, #tpu.memory_space<semaphore_mem>> -> memref<!tpu.dma_semaphore, #tpu.memory_space<semaphore_mem>>
    %dma_wait3A_63 = arith.constant 0 : i32
    %dma_wait3A_64 = tpu.memref_slice %arg2[%add3A_14, %dma_wait3A_63] : memref<16384x1024xf32, #tpu.memory_space<hbm>> -> memref<32x1024xf32, #tpu.memory_space<hbm>>
    tpu.wait_dma2 semaphore(%dma_wait3A_62 : memref<!tpu.dma_semaphore, #tpu.memory_space<semaphore_mem>>) src(%dma_wait3A_64 : memref<32x1024xf32, #tpu.memory_space<hbm>>) dst(%arg6 : memref<32x1024xf32, #tpu.memory_space<vmem>>)
    %add3A_65 = arith.constant 32 : i32
    %add3A_66 = arith.addi %mul3A_2, %add3A_65 : i32
    %dma_start3A_67 = arith.constant 1 : i32
    %dma_start3A_68 = arith.constant 0 : i32
    %dma_start3A_69 = tpu.memref_slice %arg4[%add3A_66, %dma_start3A_68] : memref<16384x1024xf32, #tpu.memory_space<hbm>> -> memref<32x1024xf32, #tpu.memory_space<hbm>>
    %dma_start3A_70 = tpu.memref_slice %arg9[%dma_start3A_67] : memref<2x!tpu.dma_semaphore, #tpu.memory_space<semaphore_mem>> -> memref<1x!tpu.dma_semaphore, #tpu.memory_space<semaphore_mem>>
    %dma_start3A_71 = tpu.memref_squeeze %dma_start3A_70 : memref<1x!tpu.dma_semaphore, #tpu.memory_space<semaphore_mem>> -> memref<!tpu.dma_semaphore, #tpu.memory_space<semaphore_mem>>
    %dma_start3A_72 = arith.constant 0 : i32
    %dma_start3A_73 = tpu.memref_slice %arg4[%add3A_66, %dma_start3A_72] : memref<16384x1024xf32, #tpu.memory_space<hbm>> -> memref<32x1024xf32, #tpu.memory_space<hbm>>
    tpu.enqueue_dma source(%arg6 : memref<32x1024xf32, #tpu.memory_space<vmem>>) target(%dma_start3A_73 : memref<32x1024xf32, #tpu.memory_space<hbm>>) target_semaphore(%dma_start3A_71 : memref<!tpu.dma_semaphore, #tpu.memory_space<semaphore_mem>>)
    %dma_wait3A_74 = arith.constant 1 : i32
    %dma_wait3A_75 = arith.constant 0 : i32
    %dma_wait3A_76 = tpu.memref_slice %arg4[%add3A_66, %dma_wait3A_75] : memref<16384x1024xf32, #tpu.memory_space<hbm>> -> memref<32x1024xf32, #tpu.memory_space<hbm>>
    %dma_wait3A_77 = tpu.memref_slice %arg9[%dma_wait3A_74] : memref<2x!tpu.dma_semaphore, #tpu.memory_space<semaphore_mem>> -> memref<1x!tpu.dma_semaphore, #tpu.memory_space<semaphore_mem>>
    %dma_wait3A_78 = tpu.memref_squeeze %dma_wait3A_77 : memref<1x!tpu.dma_semaphore, #tpu.memory_space<semaphore_mem>> -> memref<!tpu.dma_semaphore, #tpu.memory_space<semaphore_mem>>
    %dma_wait3A_79 = arith.constant 0 : i32
    %dma_wait3A_80 = tpu.memref_slice %arg4[%add3A_66, %dma_wait3A_79] : memref<16384x1024xf32, #tpu.memory_space<hbm>> -> memref<32x1024xf32, #tpu.memory_space<hbm>>
    tpu.wait_dma2 semaphore(%dma_wait3A_78 : memref<!tpu.dma_semaphore, #tpu.memory_space<semaphore_mem>>) src(%arg6 : memref<32x1024xf32, #tpu.memory_space<vmem>>) dst(%dma_wait3A_80 : memref<32x1024xf32, #tpu.memory_space<hbm>>)
    %add3A_81 = arith.constant 96 : i32
    %add3A_82 = arith.addi %mul3A_2, %add3A_81 : i32
    %dma_start3A_83 = arith.constant 1 : i32
    %dma_start3A_84 = arith.constant 0 : i32
    %dma_start3A_85 = tpu.memref_slice %arg2[%add3A_82, %dma_start3A_84] : memref<16384x1024xf32, #tpu.memory_space<hbm>> -> memref<32x1024xf32, #tpu.memory_space<hbm>>
    %dma_start3A_86 = tpu.memref_slice %arg8[%dma_start3A_83] : memref<2x!tpu.dma_semaphore, #tpu.memory_space<semaphore_mem>> -> memref<1x!tpu.dma_semaphore, #tpu.memory_space<semaphore_mem>>
    %dma_start3A_87 = tpu.memref_squeeze %dma_start3A_86 : memref<1x!tpu.dma_semaphore, #tpu.memory_space<semaphore_mem>> -> memref<!tpu.dma_semaphore, #tpu.memory_space<semaphore_mem>>
    %dma_start3A_88 = arith.constant 0 : i32
    %dma_start3A_89 = tpu.memref_slice %arg2[%add3A_82, %dma_start3A_88] : memref<16384x1024xf32, #tpu.memory_space<hbm>> -> memref<32x1024xf32, #tpu.memory_space<hbm>>
    tpu.enqueue_dma source(%dma_start3A_89 : memref<32x1024xf32, #tpu.memory_space<hbm>>) target(%arg6 : memref<32x1024xf32, #tpu.memory_space<vmem>>) target_semaphore(%dma_start3A_87 : memref<!tpu.dma_semaphore, #tpu.memory_space<semaphore_mem>>)
    %dma_wait3A_90 = arith.constant 0 : i32
    %dma_wait3A_91 = arith.constant 0 : i32
    %dma_wait3A_92 = tpu.memref_slice %arg2[%add3A_50, %dma_wait3A_91] : memref<16384x1024xf32, #tpu.memory_space<hbm>> -> memref<32x1024xf32, #tpu.memory_space<hbm>>
    %dma_wait3A_93 = tpu.memref_slice %arg8[%dma_wait3A_90] : memref<2x!tpu.dma_semaphore, #tpu.memory_space<semaphore_mem>> -> memref<1x!tpu.dma_semaphore, #tpu.memory_space<semaphore_mem>>
    %dma_wait3A_94 = tpu.memref_squeeze %dma_wait3A_93 : memref<1x!tpu.dma_semaphore, #tpu.memory_space<semaphore_mem>> -> memref<!tpu.dma_semaphore, #tpu.memory_space<semaphore_mem>>
    %dma_wait3A_95 = arith.constant 0 : i32
    %dma_wait3A_96 = tpu.memref_slice %arg2[%add3A_50, %dma_wait3A_95] : memref<16384x1024xf32, #tpu.memory_space<hbm>> -> memref<32x1024xf32, #tpu.memory_space<hbm>>
    tpu.wait_dma2 semaphore(%dma_wait3A_94 : memref<!tpu.dma_semaphore, #tpu.memory_space<semaphore_mem>>) src(%dma_wait3A_96 : memref<32x1024xf32, #tpu.memory_space<hbm>>) dst(%arg5 : memref<32x1024xf32, #tpu.memory_space<vmem>>)
    %add3A_97 = arith.constant 64 : i32
    %add3A_98 = arith.addi %mul3A_2, %add3A_97 : i32
    %dma_start3A_99 = arith.constant 0 : i32
    %dma_start3A_100 = arith.constant 0 : i32
    %dma_start3A_101 = tpu.memref_slice %arg4[%add3A_98, %dma_start3A_100] : memref<16384x1024xf32, #tpu.memory_space<hbm>> -> memref<32x1024xf32, #tpu.memory_space<hbm>>
    %dma_start3A_102 = tpu.memref_slice %arg9[%dma_start3A_99] : memref<2x!tpu.dma_semaphore, #tpu.memory_space<semaphore_mem>> -> memref<1x!tpu.dma_semaphore, #tpu.memory_space<semaphore_mem>>
    %dma_start3A_103 = tpu.memref_squeeze %dma_start3A_102 : memref<1x!tpu.dma_semaphore, #tpu.memory_space<semaphore_mem>> -> memref<!tpu.dma_semaphore, #tpu.memory_space<semaphore_mem>>
    %dma_start3A_104 = arith.constant 0 : i32
    %dma_start3A_105 = tpu.memref_slice %arg4[%add3A_98, %dma_start3A_104] : memref<16384x1024xf32, #tpu.memory_space<hbm>> -> memref<32x1024xf32, #tpu.memory_space<hbm>>
    tpu.enqueue_dma source(%arg5 : memref<32x1024xf32, #tpu.memory_space<vmem>>) target(%dma_start3A_105 : memref<32x1024xf32, #tpu.memory_space<hbm>>) target_semaphore(%dma_start3A_103 : memref<!tpu.dma_semaphore, #tpu.memory_space<semaphore_mem>>)
    %dma_wait3A_106 = arith.constant 0 : i32
    %dma_wait3A_107 = arith.constant 0 : i32
    %dma_wait3A_108 = tpu.memref_slice %arg4[%add3A_98, %dma_wait3A_107] : memref<16384x1024xf32, #tpu.memory_space<hbm>> -> memref<32x1024xf32, #tpu.memory_space<hbm>>
    %dma_wait3A_109 = tpu.memref_slice %arg9[%dma_wait3A_106] : memref<2x!tpu.dma_semaphore, #tpu.memory_space<semaphore_mem>> -> memref<1x!tpu.dma_semaphore, #tpu.memory_space<semaphore_mem>>
    %dma_wait3A_110 = tpu.memref_squeeze %dma_wait3A_109 : memref<1x!tpu.dma_semaphore, #tpu.memory_space<semaphore_mem>> -> memref<!tpu.dma_semaphore, #tpu.memory_space<semaphore_mem>>
    %dma_wait3A_111 = arith.constant 0 : i32
    %dma_wait3A_112 = tpu.memref_slice %arg4[%add3A_98, %dma_wait3A_111] : memref<16384x1024xf32, #tpu.memory_space<hbm>> -> memref<32x1024xf32, #tpu.memory_space<hbm>>
    tpu.wait_dma2 semaphore(%dma_wait3A_110 : memref<!tpu.dma_semaphore, #tpu.memory_space<semaphore_mem>>) src(%arg5 : memref<32x1024xf32, #tpu.memory_space<vmem>>) dst(%dma_wait3A_112 : memref<32x1024xf32, #tpu.memory_space<hbm>>)
    %add3A_113 = arith.constant 128 : i32
    %add3A_114 = arith.addi %mul3A_2, %add3A_113 : i32
    %dma_start3A_115 = arith.constant 0 : i32
    %dma_start3A_116 = arith.constant 0 : i32
    %dma_start3A_117 = tpu.memref_slice %arg2[%add3A_114, %dma_start3A_116] : memref<16384x1024xf32, #tpu.memory_space<hbm>> -> memref<32x1024xf32, #tpu.memory_space<hbm>>
    %dma_start3A_118 = tpu.memref_slice %arg8[%dma_start3A_115] : memref<2x!tpu.dma_semaphore, #tpu.memory_space<semaphore_mem>> -> memref<1x!tpu.dma_semaphore, #tpu.memory_space<semaphore_mem>>
    %dma_start3A_119 = tpu.memref_squeeze %dma_start3A_118 : memref<1x!tpu.dma_semaphore, #tpu.memory_space<semaphore_mem>> -> memref<!tpu.dma_semaphore, #tpu.memory_space<semaphore_mem>>
    %dma_start3A_120 = arith.constant 0 : i32
    %dma_start3A_121 = tpu.memref_slice %arg2[%add3A_114, %dma_start3A_120] : memref<16384x1024xf32, #tpu.memory_space<hbm>> -> memref<32x1024xf32, #tpu.memory_space<hbm>>
    tpu.enqueue_dma source(%dma_start3A_121 : memref<32x1024xf32, #tpu.memory_space<hbm>>) target(%arg5 : memref<32x1024xf32, #tpu.memory_space<vmem>>) target_semaphore(%dma_start3A_119 : memref<!tpu.dma_semaphore, #tpu.memory_space<semaphore_mem>>)
    %dma_wait3A_122 = arith.constant 1 : i32
    %dma_wait3A_123 = arith.constant 0 : i32
    %dma_wait3A_124 = tpu.memref_slice %arg2[%add3A_82, %dma_wait3A_123] : memref<16384x1024xf32, #tpu.memory_space<hbm>> -> memref<32x1024xf32, #tpu.memory_space<hbm>>
    %dma_wait3A_125 = tpu.memref_slice %arg8[%dma_wait3A_122] : memref<2x!tpu.dma_semaphore, #tpu.memory_space<semaphore_mem>> -> memref<1x!tpu.dma_semaphore, #tpu.memory_space<semaphore_mem>>
    %dma_wait3A_126 = tpu.memref_squeeze %dma_wait3A_125 : memref<1x!tpu.dma_semaphore, #tpu.memory_space<semaphore_mem>> -> memref<!tpu.dma_semaphore, #tpu.memory_space<semaphore_mem>>
    %dma_wait3A_127 = arith.constant 0 : i32
    %dma_wait3A_128 = tpu.memref_slice %arg2[%add3A_82, %dma_wait3A_127] : memref<16384x1024xf32, #tpu.memory_space<hbm>> -> memref<32x1024xf32, #tpu.memory_space<hbm>>
    tpu.wait_dma2 semaphore(%dma_wait3A_126 : memref<!tpu.dma_semaphore, #tpu.memory_space<semaphore_mem>>) src(%dma_wait3A_128 : memref<32x1024xf32, #tpu.memory_space<hbm>>) dst(%arg6 : memref<32x1024xf32, #tpu.memory_space<vmem>>)
    %add3A_129 = arith.constant 96 : i32
    %add3A_130 = arith.addi %mul3A_2, %add3A_129 : i32
    %dma_start3A_131 = arith.constant 1 : i32
    %dma_start3A_132 = arith.constant 0 : i32
    %dma_start3A_133 = tpu.memref_slice %arg4[%add3A_130, %dma_start3A_132] : memref<16384x1024xf32, #tpu.memory_space<hbm>> -> memref<32x1024xf32, #tpu.memory_space<hbm>>
    %dma_start3A_134 = tpu.memref_slice %arg9[%dma_start3A_131] : memref<2x!tpu.dma_semaphore, #tpu.memory_space<semaphore_mem>> -> memref<1x!tpu.dma_semaphore, #tpu.memory_space<semaphore_mem>>
    %dma_start3A_135 = tpu.memref_squeeze %dma_start3A_134 : memref<1x!tpu.dma_semaphore, #tpu.memory_space<semaphore_mem>> -> memref<!tpu.dma_semaphore, #tpu.memory_space<semaphore_mem>>
    %dma_start3A_136 = arith.constant 0 : i32
    %dma_start3A_137 = tpu.memref_slice %arg4[%add3A_130, %dma_start3A_136] : memref<16384x1024xf32, #tpu.memory_space<hbm>> -> memref<32x1024xf32, #tpu.memory_space<hbm>>
    tpu.enqueue_dma source(%arg6 : memref<32x1024xf32, #tpu.memory_space<vmem>>) target(%dma_start3A_137 : memref<32x1024xf32, #tpu.memory_space<hbm>>) target_semaphore(%dma_start3A_135 : memref<!tpu.dma_semaphore, #tpu.memory_space<semaphore_mem>>)
    %dma_wait3A_138 = arith.constant 1 : i32
    %dma_wait3A_139 = arith.constant 0 : i32
    %dma_wait3A_140 = tpu.memref_slice %arg4[%add3A_130, %dma_wait3A_139] : memref<16384x1024xf32, #tpu.memory_space<hbm>> -> memref<32x1024xf32, #tpu.memory_space<hbm>>
    %dma_wait3A_141 = tpu.memref_slice %arg9[%dma_wait3A_138] : memref<2x!tpu.dma_semaphore, #tpu.memory_space<semaphore_mem>> -> memref<1x!tpu.dma_semaphore, #tpu.memory_space<semaphore_mem>>
    %dma_wait3A_142 = tpu.memref_squeeze %dma_wait3A_141 : memref<1x!tpu.dma_semaphore, #tpu.memory_space<semaphore_mem>> -> memref<!tpu.dma_semaphore, #tpu.memory_space<semaphore_mem>>
    %dma_wait3A_143 = arith.constant 0 : i32
    %dma_wait3A_144 = tpu.memref_slice %arg4[%add3A_130, %dma_wait3A_143] : memref<16384x1024xf32, #tpu.memory_space<hbm>> -> memref<32x1024xf32, #tpu.memory_space<hbm>>
    tpu.wait_dma2 semaphore(%dma_wait3A_142 : memref<!tpu.dma_semaphore, #tpu.memory_space<semaphore_mem>>) src(%arg6 : memref<32x1024xf32, #tpu.memory_space<vmem>>) dst(%dma_wait3A_144 : memref<32x1024xf32, #tpu.memory_space<hbm>>)
    %add3A_145 = arith.constant 160 : i32
    %add3A_146 = arith.addi %mul3A_2, %add3A_145 : i32
    %dma_start3A_147 = arith.constant 1 : i32
    %dma_start3A_148 = arith.constant 0 : i32
    %dma_start3A_149 = tpu.memref_slice %arg2[%add3A_146, %dma_start3A_148] : memref<16384x1024xf32, #tpu.memory_space<hbm>> -> memref<32x1024xf32, #tpu.memory_space<hbm>>
    %dma_start3A_150 = tpu.memref_slice %arg8[%dma_start3A_147] : memref<2x!tpu.dma_semaphore, #tpu.memory_space<semaphore_mem>> -> memref<1x!tpu.dma_semaphore, #tpu.memory_space<semaphore_mem>>
    %dma_start3A_151 = tpu.memref_squeeze %dma_start3A_150 : memref<1x!tpu.dma_semaphore, #tpu.memory_space<semaphore_mem>> -> memref<!tpu.dma_semaphore, #tpu.memory_space<semaphore_mem>>
    %dma_start3A_152 = arith.constant 0 : i32
    %dma_start3A_153 = tpu.memref_slice %arg2[%add3A_146, %dma_start3A_152] : memref<16384x1024xf32, #tpu.memory_space<hbm>> -> memref<32x1024xf32, #tpu.memory_space<hbm>>
    tpu.enqueue_dma source(%dma_start3A_153 : memref<32x1024xf32, #tpu.memory_space<hbm>>) target(%arg6 : memref<32x1024xf32, #tpu.memory_space<vmem>>) target_semaphore(%dma_start3A_151 : memref<!tpu.dma_semaphore, #tpu.memory_space<semaphore_mem>>)
    %dma_wait3A_154 = arith.constant 0 : i32
    %dma_wait3A_155 = arith.constant 0 : i32
    %dma_wait3A_156 = tpu.memref_slice %arg2[%add3A_114, %dma_wait3A_155] : memref<16384x1024xf32, #tpu.memory_space<hbm>> -> memref<32x1024xf32, #tpu.memory_space<hbm>>
    %dma_wait3A_157 = tpu.memref_slice %arg8[%dma_wait3A_154] : memref<2x!tpu.dma_semaphore, #tpu.memory_space<semaphore_mem>> -> memref<1x!tpu.dma_semaphore, #tpu.memory_space<semaphore_mem>>
    %dma_wait3A_158 = tpu.memref_squeeze %dma_wait3A_157 : memref<1x!tpu.dma_semaphore, #tpu.memory_space<semaphore_mem>> -> memref<!tpu.dma_semaphore, #tpu.memory_space<semaphore_mem>>
    %dma_wait3A_159 = arith.constant 0 : i32
    %dma_wait3A_160 = tpu.memref_slice %arg2[%add3A_114, %dma_wait3A_159] : memref<16384x1024xf32, #tpu.memory_space<hbm>> -> memref<32x1024xf32, #tpu.memory_space<hbm>>
    tpu.wait_dma2 semaphore(%dma_wait3A_158 : memref<!tpu.dma_semaphore, #tpu.memory_space<semaphore_mem>>) src(%dma_wait3A_160 : memref<32x1024xf32, #tpu.memory_space<hbm>>) dst(%arg5 : memref<32x1024xf32, #tpu.memory_space<vmem>>)
    %add3A_161 = arith.constant 128 : i32
    %add3A_162 = arith.addi %mul3A_2, %add3A_161 : i32
    %dma_start3A_163 = arith.constant 0 : i32
    %dma_start3A_164 = arith.constant 0 : i32
    %dma_start3A_165 = tpu.memref_slice %arg4[%add3A_162, %dma_start3A_164] : memref<16384x1024xf32, #tpu.memory_space<hbm>> -> memref<32x1024xf32, #tpu.memory_space<hbm>>
    %dma_start3A_166 = tpu.memref_slice %arg9[%dma_start3A_163] : memref<2x!tpu.dma_semaphore, #tpu.memory_space<semaphore_mem>> -> memref<1x!tpu.dma_semaphore, #tpu.memory_space<semaphore_mem>>
    %dma_start3A_167 = tpu.memref_squeeze %dma_start3A_166 : memref<1x!tpu.dma_semaphore, #tpu.memory_space<semaphore_mem>> -> memref<!tpu.dma_semaphore, #tpu.memory_space<semaphore_mem>>
    %dma_start3A_168 = arith.constant 0 : i32
    %dma_start3A_169 = tpu.memref_slice %arg4[%add3A_162, %dma_start3A_168] : memref<16384x1024xf32, #tpu.memory_space<hbm>> -> memref<32x1024xf32, #tpu.memory_space<hbm>>
    tpu.enqueue_dma source(%arg5 : memref<32x1024xf32, #tpu.memory_space<vmem>>) target(%dma_start3A_169 : memref<32x1024xf32, #tpu.memory_space<hbm>>) target_semaphore(%dma_start3A_167 : memref<!tpu.dma_semaphore, #tpu.memory_space<semaphore_mem>>)
    %dma_wait3A_170 = arith.constant 0 : i32
    %dma_wait3A_171 = arith.constant 0 : i32
    %dma_wait3A_172 = tpu.memref_slice %arg4[%add3A_162, %dma_wait3A_171] : memref<16384x1024xf32, #tpu.memory_space<hbm>> -> memref<32x1024xf32, #tpu.memory_space<hbm>>
    %dma_wait3A_173 = tpu.memref_slice %arg9[%dma_wait3A_170] : memref<2x!tpu.dma_semaphore, #tpu.memory_space<semaphore_mem>> -> memref<1x!tpu.dma_semaphore, #tpu.memory_space<semaphore_mem>>
    %dma_wait3A_174 = tpu.memref_squeeze %dma_wait3A_173 : memref<1x!tpu.dma_semaphore, #tpu.memory_space<semaphore_mem>> -> memref<!tpu.dma_semaphore, #tpu.memory_space<semaphore_mem>>
    %dma_wait3A_175 = arith.constant 0 : i32
    %dma_wait3A_176 = tpu.memref_slice %arg4[%add3A_162, %dma_wait3A_175] : memref<16384x1024xf32, #tpu.memory_space<hbm>> -> memref<32x1024xf32, #tpu.memory_space<hbm>>
    tpu.wait_dma2 semaphore(%dma_wait3A_174 : memref<!tpu.dma_semaphore, #tpu.memory_space<semaphore_mem>>) src(%arg5 : memref<32x1024xf32, #tpu.memory_space<vmem>>) dst(%dma_wait3A_176 : memref<32x1024xf32, #tpu.memory_space<hbm>>)
    %add3A_177 = arith.constant 192 : i32
    %add3A_178 = arith.addi %mul3A_2, %add3A_177 : i32
    %dma_start3A_179 = arith.constant 0 : i32
    %dma_start3A_180 = arith.constant 0 : i32
    %dma_start3A_181 = tpu.memref_slice %arg2[%add3A_178, %dma_start3A_180] : memref<16384x1024xf32, #tpu.memory_space<hbm>> -> memref<32x1024xf32, #tpu.memory_space<hbm>>
    %dma_start3A_182 = tpu.memref_slice %arg8[%dma_start3A_179] : memref<2x!tpu.dma_semaphore, #tpu.memory_space<semaphore_mem>> -> memref<1x!tpu.dma_semaphore, #tpu.memory_space<semaphore_mem>>
    %dma_start3A_183 = tpu.memref_squeeze %dma_start3A_182 : memref<1x!tpu.dma_semaphore, #tpu.memory_space<semaphore_mem>> -> memref<!tpu.dma_semaphore, #tpu.memory_space<semaphore_mem>>
    %dma_start3A_184 = arith.constant 0 : i32
    %dma_start3A_185 = tpu.memref_slice %arg2[%add3A_178, %dma_start3A_184] : memref<16384x1024xf32, #tpu.memory_space<hbm>> -> memref<32x1024xf32, #tpu.memory_space<hbm>>
    tpu.enqueue_dma source(%dma_start3A_185 : memref<32x1024xf32, #tpu.memory_space<hbm>>) target(%arg5 : memref<32x1024xf32, #tpu.memory_space<vmem>>) target_semaphore(%dma_start3A_183 : memref<!tpu.dma_semaphore, #tpu.memory_space<semaphore_mem>>)
    %dma_wait3A_186 = arith.constant 1 : i32
    %dma_wait3A_187 = arith.constant 0 : i32
    %dma_wait3A_188 = tpu.memref_slice %arg2[%add3A_146, %dma_wait3A_187] : memref<16384x1024xf32, #tpu.memory_space<hbm>> -> memref<32x1024xf32, #tpu.memory_space<hbm>>
    %dma_wait3A_189 = tpu.memref_slice %arg8[%dma_wait3A_186] : memref<2x!tpu.dma_semaphore, #tpu.memory_space<semaphore_mem>> -> memref<1x!tpu.dma_semaphore, #tpu.memory_space<semaphore_mem>>
    %dma_wait3A_190 = tpu.memref_squeeze %dma_wait3A_189 : memref<1x!tpu.dma_semaphore, #tpu.memory_space<semaphore_mem>> -> memref<!tpu.dma_semaphore, #tpu.memory_space<semaphore_mem>>
    %dma_wait3A_191 = arith.constant 0 : i32
    %dma_wait3A_192 = tpu.memref_slice %arg2[%add3A_146, %dma_wait3A_191] : memref<16384x1024xf32, #tpu.memory_space<hbm>> -> memref<32x1024xf32, #tpu.memory_space<hbm>>
    tpu.wait_dma2 semaphore(%dma_wait3A_190 : memref<!tpu.dma_semaphore, #tpu.memory_space<semaphore_mem>>) src(%dma_wait3A_192 : memref<32x1024xf32, #tpu.memory_space<hbm>>) dst(%arg6 : memref<32x1024xf32, #tpu.memory_space<vmem>>)
    %add3A_193 = arith.constant 160 : i32
    %add3A_194 = arith.addi %mul3A_2, %add3A_193 : i32
    %dma_start3A_195 = arith.constant 1 : i32
    %dma_start3A_196 = arith.constant 0 : i32
    %dma_start3A_197 = tpu.memref_slice %arg4[%add3A_194, %dma_start3A_196] : memref<16384x1024xf32, #tpu.memory_space<hbm>> -> memref<32x1024xf32, #tpu.memory_space<hbm>>
    %dma_start3A_198 = tpu.memref_slice %arg9[%dma_start3A_195] : memref<2x!tpu.dma_semaphore, #tpu.memory_space<semaphore_mem>> -> memref<1x!tpu.dma_semaphore, #tpu.memory_space<semaphore_mem>>
    %dma_start3A_199 = tpu.memref_squeeze %dma_start3A_198 : memref<1x!tpu.dma_semaphore, #tpu.memory_space<semaphore_mem>> -> memref<!tpu.dma_semaphore, #tpu.memory_space<semaphore_mem>>
    %dma_start3A_200 = arith.constant 0 : i32
    %dma_start3A_201 = tpu.memref_slice %arg4[%add3A_194, %dma_start3A_200] : memref<16384x1024xf32, #tpu.memory_space<hbm>> -> memref<32x1024xf32, #tpu.memory_space<hbm>>
    tpu.enqueue_dma source(%arg6 : memref<32x1024xf32, #tpu.memory_space<vmem>>) target(%dma_start3A_201 : memref<32x1024xf32, #tpu.memory_space<hbm>>) target_semaphore(%dma_start3A_199 : memref<!tpu.dma_semaphore, #tpu.memory_space<semaphore_mem>>)
    %dma_wait3A_202 = arith.constant 1 : i32
    %dma_wait3A_203 = arith.constant 0 : i32
    %dma_wait3A_204 = tpu.memref_slice %arg4[%add3A_194, %dma_wait3A_203] : memref<16384x1024xf32, #tpu.memory_space<hbm>> -> memref<32x1024xf32, #tpu.memory_space<hbm>>
    %dma_wait3A_205 = tpu.memref_slice %arg9[%dma_wait3A_202] : memref<2x!tpu.dma_semaphore, #tpu.memory_space<semaphore_mem>> -> memref<1x!tpu.dma_semaphore, #tpu.memory_space<semaphore_mem>>
    %dma_wait3A_206 = tpu.memref_squeeze %dma_wait3A_205 : memref<1x!tpu.dma_semaphore, #tpu.memory_space<semaphore_mem>> -> memref<!tpu.dma_semaphore, #tpu.memory_space<semaphore_mem>>
    %dma_wait3A_207 = arith.constant 0 : i32
    %dma_wait3A_208 = tpu.memref_slice %arg4[%add3A_194, %dma_wait3A_207] : memref<16384x1024xf32, #tpu.memory_space<hbm>> -> memref<32x1024xf32, #tpu.memory_space<hbm>>
    tpu.wait_dma2 semaphore(%dma_wait3A_206 : memref<!tpu.dma_semaphore, #tpu.memory_space<semaphore_mem>>) src(%arg6 : memref<32x1024xf32, #tpu.memory_space<vmem>>) dst(%dma_wait3A_208 : memref<32x1024xf32, #tpu.memory_space<hbm>>)
    %add3A_209 = arith.constant 224 : i32
    %add3A_210 = arith.addi %mul3A_2, %add3A_209 : i32
    %dma_start3A_211 = arith.constant 1 : i32
    %dma_start3A_212 = arith.constant 0 : i32
    %dma_start3A_213 = tpu.memref_slice %arg2[%add3A_210, %dma_start3A_212] : memref<16384x1024xf32, #tpu.memory_space<hbm>> -> memref<32x1024xf32, #tpu.memory_space<hbm>>
    %dma_start3A_214 = tpu.memref_slice %arg8[%dma_start3A_211] : memref<2x!tpu.dma_semaphore, #tpu.memory_space<semaphore_mem>> -> memref<1x!tpu.dma_semaphore, #tpu.memory_space<semaphore_mem>>
    %dma_start3A_215 = tpu.memref_squeeze %dma_start3A_214 : memref<1x!tpu.dma_semaphore, #tpu.memory_space<semaphore_mem>> -> memref<!tpu.dma_semaphore, #tpu.memory_space<semaphore_mem>>
    %dma_start3A_216 = arith.constant 0 : i32
    %dma_start3A_217 = tpu.memref_slice %arg2[%add3A_210, %dma_start3A_216] : memref<16384x1024xf32, #tpu.memory_space<hbm>> -> memref<32x1024xf32, #tpu.memory_space<hbm>>
    tpu.enqueue_dma source(%dma_start3A_217 : memref<32x1024xf32, #tpu.memory_space<hbm>>) target(%arg6 : memref<32x1024xf32, #tpu.memory_space<vmem>>) target_semaphore(%dma_start3A_215 : memref<!tpu.dma_semaphore, #tpu.memory_space<semaphore_mem>>)
    %dma_wait3A_218 = arith.constant 0 : i32
    %dma_wait3A_219 = arith.constant 0 : i32
    %dma_wait3A_220 = tpu.memref_slice %arg2[%add3A_178, %dma_wait3A_219] : memref<16384x1024xf32, #tpu.memory_space<hbm>> -> memref<32x1024xf32, #tpu.memory_space<hbm>>
    %dma_wait3A_221 = tpu.memref_slice %arg8[%dma_wait3A_218] : memref<2x!tpu.dma_semaphore, #tpu.memory_space<semaphore_mem>> -> memref<1x!tpu.dma_semaphore, #tpu.memory_space<semaphore_mem>>
    %dma_wait3A_222 = tpu.memref_squeeze %dma_wait3A_221 : memref<1x!tpu.dma_semaphore, #tpu.memory_space<semaphore_mem>> -> memref<!tpu.dma_semaphore, #tpu.memory_space<semaphore_mem>>
    %dma_wait3A_223 = arith.constant 0 : i32
    %dma_wait3A_224 = tpu.memref_slice %arg2[%add3A_178, %dma_wait3A_223] : memref<16384x1024xf32, #tpu.memory_space<hbm>> -> memref<32x1024xf32, #tpu.memory_space<hbm>>
    tpu.wait_dma2 semaphore(%dma_wait3A_222 : memref<!tpu.dma_semaphore, #tpu.memory_space<semaphore_mem>>) src(%dma_wait3A_224 : memref<32x1024xf32, #tpu.memory_space<hbm>>) dst(%arg5 : memref<32x1024xf32, #tpu.memory_space<vmem>>)
    %add3A_225 = arith.constant 192 : i32
    %add3A_226 = arith.addi %mul3A_2, %add3A_225 : i32
    %dma_start3A_227 = arith.constant 0 : i32
    %dma_start3A_228 = arith.constant 0 : i32
    %dma_start3A_229 = tpu.memref_slice %arg4[%add3A_226, %dma_start3A_228] : memref<16384x1024xf32, #tpu.memory_space<hbm>> -> memref<32x1024xf32, #tpu.memory_space<hbm>>
    %dma_start3A_230 = tpu.memref_slice %arg9[%dma_start3A_227] : memref<2x!tpu.dma_semaphore, #tpu.memory_space<semaphore_mem>> -> memref<1x!tpu.dma_semaphore, #tpu.memory_space<semaphore_mem>>
    %dma_start3A_231 = tpu.memref_squeeze %dma_start3A_230 : memref<1x!tpu.dma_semaphore, #tpu.memory_space<semaphore_mem>> -> memref<!tpu.dma_semaphore, #tpu.memory_space<semaphore_mem>>
    %dma_start3A_232 = arith.constant 0 : i32
    %dma_start3A_233 = tpu.memref_slice %arg4[%add3A_226, %dma_start3A_232] : memref<16384x1024xf32, #tpu.memory_space<hbm>> -> memref<32x1024xf32, #tpu.memory_space<hbm>>
    tpu.enqueue_dma source(%arg5 : memref<32x1024xf32, #tpu.memory_space<vmem>>) target(%dma_start3A_233 : memref<32x1024xf32, #tpu.memory_space<hbm>>) target_semaphore(%dma_start3A_231 : memref<!tpu.dma_semaphore, #tpu.memory_space<semaphore_mem>>)
    %dma_wait3A_234 = arith.constant 0 : i32
    %dma_wait3A_235 = arith.constant 0 : i32
    %dma_wait3A_236 = tpu.memref_slice %arg4[%add3A_226, %dma_wait3A_235] : memref<16384x1024xf32, #tpu.memory_space<hbm>> -> memref<32x1024xf32, #tpu.memory_space<hbm>>
    %dma_wait3A_237 = tpu.memref_slice %arg9[%dma_wait3A_234] : memref<2x!tpu.dma_semaphore, #tpu.memory_space<semaphore_mem>> -> memref<1x!tpu.dma_semaphore, #tpu.memory_space<semaphore_mem>>
    %dma_wait3A_238 = tpu.memref_squeeze %dma_wait3A_237 : memref<1x!tpu.dma_semaphore, #tpu.memory_space<semaphore_mem>> -> memref<!tpu.dma_semaphore, #tpu.memory_space<semaphore_mem>>
    %dma_wait3A_239 = arith.constant 0 : i32
    %dma_wait3A_240 = tpu.memref_slice %arg4[%add3A_226, %dma_wait3A_239] : memref<16384x1024xf32, #tpu.memory_space<hbm>> -> memref<32x1024xf32, #tpu.memory_space<hbm>>
    tpu.wait_dma2 semaphore(%dma_wait3A_238 : memref<!tpu.dma_semaphore, #tpu.memory_space<semaphore_mem>>) src(%arg5 : memref<32x1024xf32, #tpu.memory_space<vmem>>) dst(%dma_wait3A_240 : memref<32x1024xf32, #tpu.memory_space<hbm>>)
    %add3A_241 = arith.constant 256 : i32
    %add3A_242 = arith.addi %mul3A_2, %add3A_241 : i32
    %dma_start3A_243 = arith.constant 0 : i32
    %dma_start3A_244 = arith.constant 0 : i32
    %dma_start3A_245 = tpu.memref_slice %arg2[%add3A_242, %dma_start3A_244] : memref<16384x1024xf32, #tpu.memory_space<hbm>> -> memref<32x1024xf32, #tpu.memory_space<hbm>>
    %dma_start3A_246 = tpu.memref_slice %arg8[%dma_start3A_243] : memref<2x!tpu.dma_semaphore, #tpu.memory_space<semaphore_mem>> -> memref<1x!tpu.dma_semaphore, #tpu.memory_space<semaphore_mem>>
    %dma_start3A_247 = tpu.memref_squeeze %dma_start3A_246 : memref<1x!tpu.dma_semaphore, #tpu.memory_space<semaphore_mem>> -> memref<!tpu.dma_semaphore, #tpu.memory_space<semaphore_mem>>
    %dma_start3A_248 = arith.constant 0 : i32
    %dma_start3A_249 = tpu.memref_slice %arg2[%add3A_242, %dma_start3A_248] : memref<16384x1024xf32, #tpu.memory_space<hbm>> -> memref<32x1024xf32, #tpu.memory_space<hbm>>
    tpu.enqueue_dma source(%dma_start3A_249 : memref<32x1024xf32, #tpu.memory_space<hbm>>) target(%arg5 : memref<32x1024xf32, #tpu.memory_space<vmem>>) target_semaphore(%dma_start3A_247 : memref<!tpu.dma_semaphore, #tpu.memory_space<semaphore_mem>>)
    %dma_wait3A_250 = arith.constant 1 : i32
    %dma_wait3A_251 = arith.constant 0 : i32
    %dma_wait3A_252 = tpu.memref_slice %arg2[%add3A_210, %dma_wait3A_251] : memref<16384x1024xf32, #tpu.memory_space<hbm>> -> memref<32x1024xf32, #tpu.memory_space<hbm>>
    %dma_wait3A_253 = tpu.memref_slice %arg8[%dma_wait3A_250] : memref<2x!tpu.dma_semaphore, #tpu.memory_space<semaphore_mem>> -> memref<1x!tpu.dma_semaphore, #tpu.memory_space<semaphore_mem>>
    %dma_wait3A_254 = tpu.memref_squeeze %dma_wait3A_253 : memref<1x!tpu.dma_semaphore, #tpu.memory_space<semaphore_mem>> -> memref<!tpu.dma_semaphore, #tpu.memory_space<semaphore_mem>>
    %dma_wait3A_255 = arith.constant 0 : i32
    %dma_wait3A_256 = tpu.memref_slice %arg2[%add3A_210, %dma_wait3A_255] : memref<16384x1024xf32, #tpu.memory_space<hbm>> -> memref<32x1024xf32, #tpu.memory_space<hbm>>
    tpu.wait_dma2 semaphore(%dma_wait3A_254 : memref<!tpu.dma_semaphore, #tpu.memory_space<semaphore_mem>>) src(%dma_wait3A_256 : memref<32x1024xf32, #tpu.memory_space<hbm>>) dst(%arg6 : memref<32x1024xf32, #tpu.memory_space<vmem>>)
    %add3A_257 = arith.constant 224 : i32
    %add3A_258 = arith.addi %mul3A_2, %add3A_257 : i32
    %dma_start3A_259 = arith.constant 1 : i32
    %dma_start3A_260 = arith.constant 0 : i32
    %dma_start3A_261 = tpu.memref_slice %arg4[%add3A_258, %dma_start3A_260] : memref<16384x1024xf32, #tpu.memory_space<hbm>> -> memref<32x1024xf32, #tpu.memory_space<hbm>>
    %dma_start3A_262 = tpu.memref_slice %arg9[%dma_start3A_259] : memref<2x!tpu.dma_semaphore, #tpu.memory_space<semaphore_mem>> -> memref<1x!tpu.dma_semaphore, #tpu.memory_space<semaphore_mem>>
    %dma_start3A_263 = tpu.memref_squeeze %dma_start3A_262 : memref<1x!tpu.dma_semaphore, #tpu.memory_space<semaphore_mem>> -> memref<!tpu.dma_semaphore, #tpu.memory_space<semaphore_mem>>
    %dma_start3A_264 = arith.constant 0 : i32
    %dma_start3A_265 = tpu.memref_slice %arg4[%add3A_258, %dma_start3A_264] : memref<16384x1024xf32, #tpu.memory_space<hbm>> -> memref<32x1024xf32, #tpu.memory_space<hbm>>
    tpu.enqueue_dma source(%arg6 : memref<32x1024xf32, #tpu.memory_space<vmem>>) target(%dma_start3A_265 : memref<32x1024xf32, #tpu.memory_space<hbm>>) target_semaphore(%dma_start3A_263 : memref<!tpu.dma_semaphore, #tpu.memory_space<semaphore_mem>>)
    %dma_wait3A_266 = arith.constant 1 : i32
    %dma_wait3A_267 = arith.constant 0 : i32
    %dma_wait3A_268 = tpu.memref_slice %arg4[%add3A_258, %dma_wait3A_267] : memref<16384x1024xf32, #tpu.memory_space<hbm>> -> memref<32x1024xf32, #tpu.memory_space<hbm>>
    %dma_wait3A_269 = tpu.memref_slice %arg9[%dma_wait3A_266] : memref<2x!tpu.dma_semaphore, #tpu.memory_space<semaphore_mem>> -> memref<1x!tpu.dma_semaphore, #tpu.memory_space<semaphore_mem>>
    %dma_wait3A_270 = tpu.memref_squeeze %dma_wait3A_269 : memref<1x!tpu.dma_semaphore, #tpu.memory_space<semaphore_mem>> -> memref<!tpu.dma_semaphore, #tpu.memory_space<semaphore_mem>>
    %dma_wait3A_271 = arith.constant 0 : i32
    %dma_wait3A_272 = tpu.memref_slice %arg4[%add3A_258, %dma_wait3A_271] : memref<16384x1024xf32, #tpu.memory_space<hbm>> -> memref<32x1024xf32, #tpu.memory_space<hbm>>
    tpu.wait_dma2 semaphore(%dma_wait3A_270 : memref<!tpu.dma_semaphore, #tpu.memory_space<semaphore_mem>>) src(%arg6 : memref<32x1024xf32, #tpu.memory_space<vmem>>) dst(%dma_wait3A_272 : memref<32x1024xf32, #tpu.memory_space<hbm>>)
    %add3A_273 = arith.constant 288 : i32
    %add3A_274 = arith.addi %mul3A_2, %add3A_273 : i32
    %dma_start3A_275 = arith.constant 1 : i32
    %dma_start3A_276 = arith.constant 0 : i32
    %dma_start3A_277 = tpu.memref_slice %arg2[%add3A_274, %dma_start3A_276] : memref<16384x1024xf32, #tpu.memory_space<hbm>> -> memref<32x1024xf32, #tpu.memory_space<hbm>>
    %dma_start3A_278 = tpu.memref_slice %arg8[%dma_start3A_275] : memref<2x!tpu.dma_semaphore, #tpu.memory_space<semaphore_mem>> -> memref<1x!tpu.dma_semaphore, #tpu.memory_space<semaphore_mem>>
    %dma_start3A_279 = tpu.memref_squeeze %dma_start3A_278 : memref<1x!tpu.dma_semaphore, #tpu.memory_space<semaphore_mem>> -> memref<!tpu.dma_semaphore, #tpu.memory_space<semaphore_mem>>
    %dma_start3A_280 = arith.constant 0 : i32
    %dma_start3A_281 = tpu.memref_slice %arg2[%add3A_274, %dma_start3A_280] : memref<16384x1024xf32, #tpu.memory_space<hbm>> -> memref<32x1024xf32, #tpu.memory_space<hbm>>
    tpu.enqueue_dma source(%dma_start3A_281 : memref<32x1024xf32, #tpu.memory_space<hbm>>) target(%arg6 : memref<32x1024xf32, #tpu.memory_space<vmem>>) target_semaphore(%dma_start3A_279 : memref<!tpu.dma_semaphore, #tpu.memory_space<semaphore_mem>>)
    %dma_wait3A_282 = arith.constant 0 : i32
    %dma_wait3A_283 = arith.constant 0 : i32
    %dma_wait3A_284 = tpu.memref_slice %arg2[%add3A_242, %dma_wait3A_283] : memref<16384x1024xf32, #tpu.memory_space<hbm>> -> memref<32x1024xf32, #tpu.memory_space<hbm>>
    %dma_wait3A_285 = tpu.memref_slice %arg8[%dma_wait3A_282] : memref<2x!tpu.dma_semaphore, #tpu.memory_space<semaphore_mem>> -> memref<1x!tpu.dma_semaphore, #tpu.memory_space<semaphore_mem>>
    %dma_wait3A_286 = tpu.memref_squeeze %dma_wait3A_285 : memref<1x!tpu.dma_semaphore, #tpu.memory_space<semaphore_mem>> -> memref<!tpu.dma_semaphore, #tpu.memory_space<semaphore_mem>>
    %dma_wait3A_287 = arith.constant 0 : i32
    %dma_wait3A_288 = tpu.memref_slice %arg2[%add3A_242, %dma_wait3A_287] : memref<16384x1024xf32, #tpu.memory_space<hbm>> -> memref<32x1024xf32, #tpu.memory_space<hbm>>
    tpu.wait_dma2 semaphore(%dma_wait3A_286 : memref<!tpu.dma_semaphore, #tpu.memory_space<semaphore_mem>>) src(%dma_wait3A_288 : memref<32x1024xf32, #tpu.memory_space<hbm>>) dst(%arg5 : memref<32x1024xf32, #tpu.memory_space<vmem>>)
    %add3A_289 = arith.constant 256 : i32
    %add3A_290 = arith.addi %mul3A_2, %add3A_289 : i32
    %dma_start3A_291 = arith.constant 0 : i32
    %dma_start3A_292 = arith.constant 0 : i32
    %dma_start3A_293 = tpu.memref_slice %arg4[%add3A_290, %dma_start3A_292] : memref<16384x1024xf32, #tpu.memory_space<hbm>> -> memref<32x1024xf32, #tpu.memory_space<hbm>>
    %dma_start3A_294 = tpu.memref_slice %arg9[%dma_start3A_291] : memref<2x!tpu.dma_semaphore, #tpu.memory_space<semaphore_mem>> -> memref<1x!tpu.dma_semaphore, #tpu.memory_space<semaphore_mem>>
    %dma_start3A_295 = tpu.memref_squeeze %dma_start3A_294 : memref<1x!tpu.dma_semaphore, #tpu.memory_space<semaphore_mem>> -> memref<!tpu.dma_semaphore, #tpu.memory_space<semaphore_mem>>
    %dma_start3A_296 = arith.constant 0 : i32
    %dma_start3A_297 = tpu.memref_slice %arg4[%add3A_290, %dma_start3A_296] : memref<16384x1024xf32, #tpu.memory_space<hbm>> -> memref<32x1024xf32, #tpu.memory_space<hbm>>
    tpu.enqueue_dma source(%arg5 : memref<32x1024xf32, #tpu.memory_space<vmem>>) target(%dma_start3A_297 : memref<32x1024xf32, #tpu.memory_space<hbm>>) target_semaphore(%dma_start3A_295 : memref<!tpu.dma_semaphore, #tpu.memory_space<semaphore_mem>>)
    %dma_wait3A_298 = arith.constant 0 : i32
    %dma_wait3A_299 = arith.constant 0 : i32
    %dma_wait3A_300 = tpu.memref_slice %arg4[%add3A_290, %dma_wait3A_299] : memref<16384x1024xf32, #tpu.memory_space<hbm>> -> memref<32x1024xf32, #tpu.memory_space<hbm>>
    %dma_wait3A_301 = tpu.memref_slice %arg9[%dma_wait3A_298] : memref<2x!tpu.dma_semaphore, #tpu.memory_space<semaphore_mem>> -> memref<1x!tpu.dma_semaphore, #tpu.memory_space<semaphore_mem>>
    %dma_wait3A_302 = tpu.memref_squeeze %dma_wait3A_301 : memref<1x!tpu.dma_semaphore, #tpu.memory_space<semaphore_mem>> -> memref<!tpu.dma_semaphore, #tpu.memory_space<semaphore_mem>>
    %dma_wait3A_303 = arith.constant 0 : i32
    %dma_wait3A_304 = tpu.memref_slice %arg4[%add3A_290, %dma_wait3A_303] : memref<16384x1024xf32, #tpu.memory_space<hbm>> -> memref<32x1024xf32, #tpu.memory_space<hbm>>
    tpu.wait_dma2 semaphore(%dma_wait3A_302 : memref<!tpu.dma_semaphore, #tpu.memory_space<semaphore_mem>>) src(%arg5 : memref<32x1024xf32, #tpu.memory_space<vmem>>) dst(%dma_wait3A_304 : memref<32x1024xf32, #tpu.memory_space<hbm>>)
    %add3A_305 = arith.constant 320 : i32
    %add3A_306 = arith.addi %mul3A_2, %add3A_305 : i32
    %dma_start3A_307 = arith.constant 0 : i32
    %dma_start3A_308 = arith.constant 0 : i32
    %dma_start3A_309 = tpu.memref_slice %arg2[%add3A_306, %dma_start3A_308] : memref<16384x1024xf32, #tpu.memory_space<hbm>> -> memref<32x1024xf32, #tpu.memory_space<hbm>>
    %dma_start3A_310 = tpu.memref_slice %arg8[%dma_start3A_307] : memref<2x!tpu.dma_semaphore, #tpu.memory_space<semaphore_mem>> -> memref<1x!tpu.dma_semaphore, #tpu.memory_space<semaphore_mem>>
    %dma_start3A_311 = tpu.memref_squeeze %dma_start3A_310 : memref<1x!tpu.dma_semaphore, #tpu.memory_space<semaphore_mem>> -> memref<!tpu.dma_semaphore, #tpu.memory_space<semaphore_mem>>
    %dma_start3A_312 = arith.constant 0 : i32
    %dma_start3A_313 = tpu.memref_slice %arg2[%add3A_306, %dma_start3A_312] : memref<16384x1024xf32, #tpu.memory_space<hbm>> -> memref<32x1024xf32, #tpu.memory_space<hbm>>
    tpu.enqueue_dma source(%dma_start3A_313 : memref<32x1024xf32, #tpu.memory_space<hbm>>) target(%arg5 : memref<32x1024xf32, #tpu.memory_space<vmem>>) target_semaphore(%dma_start3A_311 : memref<!tpu.dma_semaphore, #tpu.memory_space<semaphore_mem>>)
    %dma_wait3A_314 = arith.constant 1 : i32
    %dma_wait3A_315 = arith.constant 0 : i32
    %dma_wait3A_316 = tpu.memref_slice %arg2[%add3A_274, %dma_wait3A_315] : memref<16384x1024xf32, #tpu.memory_space<hbm>> -> memref<32x1024xf32, #tpu.memory_space<hbm>>
    %dma_wait3A_317 = tpu.memref_slice %arg8[%dma_wait3A_314] : memref<2x!tpu.dma_semaphore, #tpu.memory_space<semaphore_mem>> -> memref<1x!tpu.dma_semaphore, #tpu.memory_space<semaphore_mem>>
    %dma_wait3A_318 = tpu.memref_squeeze %dma_wait3A_317 : memref<1x!tpu.dma_semaphore, #tpu.memory_space<semaphore_mem>> -> memref<!tpu.dma_semaphore, #tpu.memory_space<semaphore_mem>>
    %dma_wait3A_319 = arith.constant 0 : i32
    %dma_wait3A_320 = tpu.memref_slice %arg2[%add3A_274, %dma_wait3A_319] : memref<16384x1024xf32, #tpu.memory_space<hbm>> -> memref<32x1024xf32, #tpu.memory_space<hbm>>
    tpu.wait_dma2 semaphore(%dma_wait3A_318 : memref<!tpu.dma_semaphore, #tpu.memory_space<semaphore_mem>>) src(%dma_wait3A_320 : memref<32x1024xf32, #tpu.memory_space<hbm>>) dst(%arg6 : memref<32x1024xf32, #tpu.memory_space<vmem>>)
    %add3A_321 = arith.constant 288 : i32
    %add3A_322 = arith.addi %mul3A_2, %add3A_321 : i32
    %dma_start3A_323 = arith.constant 1 : i32
    %dma_start3A_324 = arith.constant 0 : i32
    %dma_start3A_325 = tpu.memref_slice %arg4[%add3A_322, %dma_start3A_324] : memref<16384x1024xf32, #tpu.memory_space<hbm>> -> memref<32x1024xf32, #tpu.memory_space<hbm>>
    %dma_start3A_326 = tpu.memref_slice %arg9[%dma_start3A_323] : memref<2x!tpu.dma_semaphore, #tpu.memory_space<semaphore_mem>> -> memref<1x!tpu.dma_semaphore, #tpu.memory_space<semaphore_mem>>
    %dma_start3A_327 = tpu.memref_squeeze %dma_start3A_326 : memref<1x!tpu.dma_semaphore, #tpu.memory_space<semaphore_mem>> -> memref<!tpu.dma_semaphore, #tpu.memory_space<semaphore_mem>>
    %dma_start3A_328 = arith.constant 0 : i32
    %dma_start3A_329 = tpu.memref_slice %arg4[%add3A_322, %dma_start3A_328] : memref<16384x1024xf32, #tpu.memory_space<hbm>> -> memref<32x1024xf32, #tpu.memory_space<hbm>>
    tpu.enqueue_dma source(%arg6 : memref<32x1024xf32, #tpu.memory_space<vmem>>) target(%dma_start3A_329 : memref<32x1024xf32, #tpu.memory_space<hbm>>) target_semaphore(%dma_start3A_327 : memref<!tpu.dma_semaphore, #tpu.memory_space<semaphore_mem>>)
    %dma_wait3A_330 = arith.constant 1 : i32
    %dma_wait3A_331 = arith.constant 0 : i32
    %dma_wait3A_332 = tpu.memref_slice %arg4[%add3A_322, %dma_wait3A_331] : memref<16384x1024xf32, #tpu.memory_space<hbm>> -> memref<32x1024xf32, #tpu.memory_space<hbm>>
    %dma_wait3A_333 = tpu.memref_slice %arg9[%dma_wait3A_330] : memref<2x!tpu.dma_semaphore, #tpu.memory_space<semaphore_mem>> -> memref<1x!tpu.dma_semaphore, #tpu.memory_space<semaphore_mem>>
    %dma_wait3A_334 = tpu.memref_squeeze %dma_wait3A_333 : memref<1x!tpu.dma_semaphore, #tpu.memory_space<semaphore_mem>> -> memref<!tpu.dma_semaphore, #tpu.memory_space<semaphore_mem>>
    %dma_wait3A_335 = arith.constant 0 : i32
    %dma_wait3A_336 = tpu.memref_slice %arg4[%add3A_322, %dma_wait3A_335] : memref<16384x1024xf32, #tpu.memory_space<hbm>> -> memref<32x1024xf32, #tpu.memory_space<hbm>>
    tpu.wait_dma2 semaphore(%dma_wait3A_334 : memref<!tpu.dma_semaphore, #tpu.memory_space<semaphore_mem>>) src(%arg6 : memref<32x1024xf32, #tpu.memory_space<vmem>>) dst(%dma_wait3A_336 : memref<32x1024xf32, #tpu.memory_space<hbm>>)
    %add3A_337 = arith.constant 352 : i32
    %add3A_338 = arith.addi %mul3A_2, %add3A_337 : i32
    %dma_start3A_339 = arith.constant 1 : i32
    %dma_start3A_340 = arith.constant 0 : i32
    %dma_start3A_341 = tpu.memref_slice %arg2[%add3A_338, %dma_start3A_340] : memref<16384x1024xf32, #tpu.memory_space<hbm>> -> memref<32x1024xf32, #tpu.memory_space<hbm>>
    %dma_start3A_342 = tpu.memref_slice %arg8[%dma_start3A_339] : memref<2x!tpu.dma_semaphore, #tpu.memory_space<semaphore_mem>> -> memref<1x!tpu.dma_semaphore, #tpu.memory_space<semaphore_mem>>
    %dma_start3A_343 = tpu.memref_squeeze %dma_start3A_342 : memref<1x!tpu.dma_semaphore, #tpu.memory_space<semaphore_mem>> -> memref<!tpu.dma_semaphore, #tpu.memory_space<semaphore_mem>>
    %dma_start3A_344 = arith.constant 0 : i32
    %dma_start3A_345 = tpu.memref_slice %arg2[%add3A_338, %dma_start3A_344] : memref<16384x1024xf32, #tpu.memory_space<hbm>> -> memref<32x1024xf32, #tpu.memory_space<hbm>>
    tpu.enqueue_dma source(%dma_start3A_345 : memref<32x1024xf32, #tpu.memory_space<hbm>>) target(%arg6 : memref<32x1024xf32, #tpu.memory_space<vmem>>) target_semaphore(%dma_start3A_343 : memref<!tpu.dma_semaphore, #tpu.memory_space<semaphore_mem>>)
    %dma_wait3A_346 = arith.constant 0 : i32
    %dma_wait3A_347 = arith.constant 0 : i32
    %dma_wait3A_348 = tpu.memref_slice %arg2[%add3A_306, %dma_wait3A_347] : memref<16384x1024xf32, #tpu.memory_space<hbm>> -> memref<32x1024xf32, #tpu.memory_space<hbm>>
    %dma_wait3A_349 = tpu.memref_slice %arg8[%dma_wait3A_346] : memref<2x!tpu.dma_semaphore, #tpu.memory_space<semaphore_mem>> -> memref<1x!tpu.dma_semaphore, #tpu.memory_space<semaphore_mem>>
    %dma_wait3A_350 = tpu.memref_squeeze %dma_wait3A_349 : memref<1x!tpu.dma_semaphore, #tpu.memory_space<semaphore_mem>> -> memref<!tpu.dma_semaphore, #tpu.memory_space<semaphore_mem>>
    %dma_wait3A_351 = arith.constant 0 : i32
    %dma_wait3A_352 = tpu.memref_slice %arg2[%add3A_306, %dma_wait3A_351] : memref<16384x1024xf32, #tpu.memory_space<hbm>> -> memref<32x1024xf32, #tpu.memory_space<hbm>>
    tpu.wait_dma2 semaphore(%dma_wait3A_350 : memref<!tpu.dma_semaphore, #tpu.memory_space<semaphore_mem>>) src(%dma_wait3A_352 : memref<32x1024xf32, #tpu.memory_space<hbm>>) dst(%arg5 : memref<32x1024xf32, #tpu.memory_space<vmem>>)
    %add3A_353 = arith.constant 320 : i32
    %add3A_354 = arith.addi %mul3A_2, %add3A_353 : i32
    %dma_start3A_355 = arith.constant 0 : i32
    %dma_start3A_356 = arith.constant 0 : i32
    %dma_start3A_357 = tpu.memref_slice %arg4[%add3A_354, %dma_start3A_356] : memref<16384x1024xf32, #tpu.memory_space<hbm>> -> memref<32x1024xf32, #tpu.memory_space<hbm>>
    %dma_start3A_358 = tpu.memref_slice %arg9[%dma_start3A_355] : memref<2x!tpu.dma_semaphore, #tpu.memory_space<semaphore_mem>> -> memref<1x!tpu.dma_semaphore, #tpu.memory_space<semaphore_mem>>
    %dma_start3A_359 = tpu.memref_squeeze %dma_start3A_358 : memref<1x!tpu.dma_semaphore, #tpu.memory_space<semaphore_mem>> -> memref<!tpu.dma_semaphore, #tpu.memory_space<semaphore_mem>>
    %dma_start3A_360 = arith.constant 0 : i32
    %dma_start3A_361 = tpu.memref_slice %arg4[%add3A_354, %dma_start3A_360] : memref<16384x1024xf32, #tpu.memory_space<hbm>> -> memref<32x1024xf32, #tpu.memory_space<hbm>>
    tpu.enqueue_dma source(%arg5 : memref<32x1024xf32, #tpu.memory_space<vmem>>) target(%dma_start3A_361 : memref<32x1024xf32, #tpu.memory_space<hbm>>) target_semaphore(%dma_start3A_359 : memref<!tpu.dma_semaphore, #tpu.memory_space<semaphore_mem>>)
    %dma_wait3A_362 = arith.constant 0 : i32
    %dma_wait3A_363 = arith.constant 0 : i32
    %dma_wait3A_364 = tpu.memref_slice %arg4[%add3A_354, %dma_wait3A_363] : memref<16384x1024xf32, #tpu.memory_space<hbm>> -> memref<32x1024xf32, #tpu.memory_space<hbm>>
    %dma_wait3A_365 = tpu.memref_slice %arg9[%dma_wait3A_362] : memref<2x!tpu.dma_semaphore, #tpu.memory_space<semaphore_mem>> -> memref<1x!tpu.dma_semaphore, #tpu.memory_space<semaphore_mem>>
    %dma_wait3A_366 = tpu.memref_squeeze %dma_wait3A_365 : memref<1x!tpu.dma_semaphore, #tpu.memory_space<semaphore_mem>> -> memref<!tpu.dma_semaphore, #tpu.memory_space<semaphore_mem>>
    %dma_wait3A_367 = arith.constant 0 : i32
    %dma_wait3A_368 = tpu.memref_slice %arg4[%add3A_354, %dma_wait3A_367] : memref<16384x1024xf32, #tpu.memory_space<hbm>> -> memref<32x1024xf32, #tpu.memory_space<hbm>>
    tpu.wait_dma2 semaphore(%dma_wait3A_366 : memref<!tpu.dma_semaphore, #tpu.memory_space<semaphore_mem>>) src(%arg5 : memref<32x1024xf32, #tpu.memory_space<vmem>>) dst(%dma_wait3A_368 : memref<32x1024xf32, #tpu.memory_space<hbm>>)
    %add3A_369 = arith.constant 384 : i32
    %add3A_370 = arith.addi %mul3A_2, %add3A_369 : i32
    %dma_start3A_371 = arith.constant 0 : i32
    %dma_start3A_372 = arith.constant 0 : i32
    %dma_start3A_373 = tpu.memref_slice %arg2[%add3A_370, %dma_start3A_372] : memref<16384x1024xf32, #tpu.memory_space<hbm>> -> memref<32x1024xf32, #tpu.memory_space<hbm>>
    %dma_start3A_374 = tpu.memref_slice %arg8[%dma_start3A_371] : memref<2x!tpu.dma_semaphore, #tpu.memory_space<semaphore_mem>> -> memref<1x!tpu.dma_semaphore, #tpu.memory_space<semaphore_mem>>
    %dma_start3A_375 = tpu.memref_squeeze %dma_start3A_374 : memref<1x!tpu.dma_semaphore, #tpu.memory_space<semaphore_mem>> -> memref<!tpu.dma_semaphore, #tpu.memory_space<semaphore_mem>>
    %dma_start3A_376 = arith.constant 0 : i32
    %dma_start3A_377 = tpu.memref_slice %arg2[%add3A_370, %dma_start3A_376] : memref<16384x1024xf32, #tpu.memory_space<hbm>> -> memref<32x1024xf32, #tpu.memory_space<hbm>>
    tpu.enqueue_dma source(%dma_start3A_377 : memref<32x1024xf32, #tpu.memory_space<hbm>>) target(%arg5 : memref<32x1024xf32, #tpu.memory_space<vmem>>) target_semaphore(%dma_start3A_375 : memref<!tpu.dma_semaphore, #tpu.memory_space<semaphore_mem>>)
    %dma_wait3A_378 = arith.constant 1 : i32
    %dma_wait3A_379 = arith.constant 0 : i32
    %dma_wait3A_380 = tpu.memref_slice %arg2[%add3A_338, %dma_wait3A_379] : memref<16384x1024xf32, #tpu.memory_space<hbm>> -> memref<32x1024xf32, #tpu.memory_space<hbm>>
    %dma_wait3A_381 = tpu.memref_slice %arg8[%dma_wait3A_378] : memref<2x!tpu.dma_semaphore, #tpu.memory_space<semaphore_mem>> -> memref<1x!tpu.dma_semaphore, #tpu.memory_space<semaphore_mem>>
    %dma_wait3A_382 = tpu.memref_squeeze %dma_wait3A_381 : memref<1x!tpu.dma_semaphore, #tpu.memory_space<semaphore_mem>> -> memref<!tpu.dma_semaphore, #tpu.memory_space<semaphore_mem>>
    %dma_wait3A_383 = arith.constant 0 : i32
    %dma_wait3A_384 = tpu.memref_slice %arg2[%add3A_338, %dma_wait3A_383] : memref<16384x1024xf32, #tpu.memory_space<hbm>> -> memref<32x1024xf32, #tpu.memory_space<hbm>>
    tpu.wait_dma2 semaphore(%dma_wait3A_382 : memref<!tpu.dma_semaphore, #tpu.memory_space<semaphore_mem>>) src(%dma_wait3A_384 : memref<32x1024xf32, #tpu.memory_space<hbm>>) dst(%arg6 : memref<32x1024xf32, #tpu.memory_space<vmem>>)
    %add3A_385 = arith.constant 352 : i32
    %add3A_386 = arith.addi %mul3A_2, %add3A_385 : i32
    %dma_start3A_387 = arith.constant 1 : i32
    %dma_start3A_388 = arith.constant 0 : i32
    %dma_start3A_389 = tpu.memref_slice %arg4[%add3A_386, %dma_start3A_388] : memref<16384x1024xf32, #tpu.memory_space<hbm>> -> memref<32x1024xf32, #tpu.memory_space<hbm>>
    %dma_start3A_390 = tpu.memref_slice %arg9[%dma_start3A_387] : memref<2x!tpu.dma_semaphore, #tpu.memory_space<semaphore_mem>> -> memref<1x!tpu.dma_semaphore, #tpu.memory_space<semaphore_mem>>
    %dma_start3A_391 = tpu.memref_squeeze %dma_start3A_390 : memref<1x!tpu.dma_semaphore, #tpu.memory_space<semaphore_mem>> -> memref<!tpu.dma_semaphore, #tpu.memory_space<semaphore_mem>>
    %dma_start3A_392 = arith.constant 0 : i32
    %dma_start3A_393 = tpu.memref_slice %arg4[%add3A_386, %dma_start3A_392] : memref<16384x1024xf32, #tpu.memory_space<hbm>> -> memref<32x1024xf32, #tpu.memory_space<hbm>>
    tpu.enqueue_dma source(%arg6 : memref<32x1024xf32, #tpu.memory_space<vmem>>) target(%dma_start3A_393 : memref<32x1024xf32, #tpu.memory_space<hbm>>) target_semaphore(%dma_start3A_391 : memref<!tpu.dma_semaphore, #tpu.memory_space<semaphore_mem>>)
    %dma_wait3A_394 = arith.constant 1 : i32
    %dma_wait3A_395 = arith.constant 0 : i32
    %dma_wait3A_396 = tpu.memref_slice %arg4[%add3A_386, %dma_wait3A_395] : memref<16384x1024xf32, #tpu.memory_space<hbm>> -> memref<32x1024xf32, #tpu.memory_space<hbm>>
    %dma_wait3A_397 = tpu.memref_slice %arg9[%dma_wait3A_394] : memref<2x!tpu.dma_semaphore, #tpu.memory_space<semaphore_mem>> -> memref<1x!tpu.dma_semaphore, #tpu.memory_space<semaphore_mem>>
    %dma_wait3A_398 = tpu.memref_squeeze %dma_wait3A_397 : memref<1x!tpu.dma_semaphore, #tpu.memory_space<semaphore_mem>> -> memref<!tpu.dma_semaphore, #tpu.memory_space<semaphore_mem>>
    %dma_wait3A_399 = arith.constant 0 : i32
    %dma_wait3A_400 = tpu.memref_slice %arg4[%add3A_386, %dma_wait3A_399] : memref<16384x1024xf32, #tpu.memory_space<hbm>> -> memref<32x1024xf32, #tpu.memory_space<hbm>>
    tpu.wait_dma2 semaphore(%dma_wait3A_398 : memref<!tpu.dma_semaphore, #tpu.memory_space<semaphore_mem>>) src(%arg6 : memref<32x1024xf32, #tpu.memory_space<vmem>>) dst(%dma_wait3A_400 : memref<32x1024xf32, #tpu.memory_space<hbm>>)
    %add3A_401 = arith.constant 416 : i32
    %add3A_402 = arith.addi %mul3A_2, %add3A_401 : i32
    %dma_start3A_403 = arith.constant 1 : i32
    %dma_start3A_404 = arith.constant 0 : i32
    %dma_start3A_405 = tpu.memref_slice %arg2[%add3A_402, %dma_start3A_404] : memref<16384x1024xf32, #tpu.memory_space<hbm>> -> memref<32x1024xf32, #tpu.memory_space<hbm>>
    %dma_start3A_406 = tpu.memref_slice %arg8[%dma_start3A_403] : memref<2x!tpu.dma_semaphore, #tpu.memory_space<semaphore_mem>> -> memref<1x!tpu.dma_semaphore, #tpu.memory_space<semaphore_mem>>
    %dma_start3A_407 = tpu.memref_squeeze %dma_start3A_406 : memref<1x!tpu.dma_semaphore, #tpu.memory_space<semaphore_mem>> -> memref<!tpu.dma_semaphore, #tpu.memory_space<semaphore_mem>>
    %dma_start3A_408 = arith.constant 0 : i32
    %dma_start3A_409 = tpu.memref_slice %arg2[%add3A_402, %dma_start3A_408] : memref<16384x1024xf32, #tpu.memory_space<hbm>> -> memref<32x1024xf32, #tpu.memory_space<hbm>>
    tpu.enqueue_dma source(%dma_start3A_409 : memref<32x1024xf32, #tpu.memory_space<hbm>>) target(%arg6 : memref<32x1024xf32, #tpu.memory_space<vmem>>) target_semaphore(%dma_start3A_407 : memref<!tpu.dma_semaphore, #tpu.memory_space<semaphore_mem>>)
    %dma_wait3A_410 = arith.constant 0 : i32
    %dma_wait3A_411 = arith.constant 0 : i32
    %dma_wait3A_412 = tpu.memref_slice %arg2[%add3A_370, %dma_wait3A_411] : memref<16384x1024xf32, #tpu.memory_space<hbm>> -> memref<32x1024xf32, #tpu.memory_space<hbm>>
    %dma_wait3A_413 = tpu.memref_slice %arg8[%dma_wait3A_410] : memref<2x!tpu.dma_semaphore, #tpu.memory_space<semaphore_mem>> -> memref<1x!tpu.dma_semaphore, #tpu.memory_space<semaphore_mem>>
    %dma_wait3A_414 = tpu.memref_squeeze %dma_wait3A_413 : memref<1x!tpu.dma_semaphore, #tpu.memory_space<semaphore_mem>> -> memref<!tpu.dma_semaphore, #tpu.memory_space<semaphore_mem>>
    %dma_wait3A_415 = arith.constant 0 : i32
    %dma_wait3A_416 = tpu.memref_slice %arg2[%add3A_370, %dma_wait3A_415] : memref<16384x1024xf32, #tpu.memory_space<hbm>> -> memref<32x1024xf32, #tpu.memory_space<hbm>>
    tpu.wait_dma2 semaphore(%dma_wait3A_414 : memref<!tpu.dma_semaphore, #tpu.memory_space<semaphore_mem>>) src(%dma_wait3A_416 : memref<32x1024xf32, #tpu.memory_space<hbm>>) dst(%arg5 : memref<32x1024xf32, #tpu.memory_space<vmem>>)
    %add3A_417 = arith.constant 384 : i32
    %add3A_418 = arith.addi %mul3A_2, %add3A_417 : i32
    %dma_start3A_419 = arith.constant 0 : i32
    %dma_start3A_420 = arith.constant 0 : i32
    %dma_start3A_421 = tpu.memref_slice %arg4[%add3A_418, %dma_start3A_420] : memref<16384x1024xf32, #tpu.memory_space<hbm>> -> memref<32x1024xf32, #tpu.memory_space<hbm>>
    %dma_start3A_422 = tpu.memref_slice %arg9[%dma_start3A_419] : memref<2x!tpu.dma_semaphore, #tpu.memory_space<semaphore_mem>> -> memref<1x!tpu.dma_semaphore, #tpu.memory_space<semaphore_mem>>
    %dma_start3A_423 = tpu.memref_squeeze %dma_start3A_422 : memref<1x!tpu.dma_semaphore, #tpu.memory_space<semaphore_mem>> -> memref<!tpu.dma_semaphore, #tpu.memory_space<semaphore_mem>>
    %dma_start3A_424 = arith.constant 0 : i32
    %dma_start3A_425 = tpu.memref_slice %arg4[%add3A_418, %dma_start3A_424] : memref<16384x1024xf32, #tpu.memory_space<hbm>> -> memref<32x1024xf32, #tpu.memory_space<hbm>>
    tpu.enqueue_dma source(%arg5 : memref<32x1024xf32, #tpu.memory_space<vmem>>) target(%dma_start3A_425 : memref<32x1024xf32, #tpu.memory_space<hbm>>) target_semaphore(%dma_start3A_423 : memref<!tpu.dma_semaphore, #tpu.memory_space<semaphore_mem>>)
    %dma_wait3A_426 = arith.constant 0 : i32
    %dma_wait3A_427 = arith.constant 0 : i32
    %dma_wait3A_428 = tpu.memref_slice %arg4[%add3A_418, %dma_wait3A_427] : memref<16384x1024xf32, #tpu.memory_space<hbm>> -> memref<32x1024xf32, #tpu.memory_space<hbm>>
    %dma_wait3A_429 = tpu.memref_slice %arg9[%dma_wait3A_426] : memref<2x!tpu.dma_semaphore, #tpu.memory_space<semaphore_mem>> -> memref<1x!tpu.dma_semaphore, #tpu.memory_space<semaphore_mem>>
    %dma_wait3A_430 = tpu.memref_squeeze %dma_wait3A_429 : memref<1x!tpu.dma_semaphore, #tpu.memory_space<semaphore_mem>> -> memref<!tpu.dma_semaphore, #tpu.memory_space<semaphore_mem>>
    %dma_wait3A_431 = arith.constant 0 : i32
    %dma_wait3A_432 = tpu.memref_slice %arg4[%add3A_418, %dma_wait3A_431] : memref<16384x1024xf32, #tpu.memory_space<hbm>> -> memref<32x1024xf32, #tpu.memory_space<hbm>>
    tpu.wait_dma2 semaphore(%dma_wait3A_430 : memref<!tpu.dma_semaphore, #tpu.memory_space<semaphore_mem>>) src(%arg5 : memref<32x1024xf32, #tpu.memory_space<vmem>>) dst(%dma_wait3A_432 : memref<32x1024xf32, #tpu.memory_space<hbm>>)
    %add3A_433 = arith.constant 448 : i32
    %add3A_434 = arith.addi %mul3A_2, %add3A_433 : i32
    %dma_start3A_435 = arith.constant 0 : i32
    %dma_start3A_436 = arith.constant 0 : i32
    %dma_start3A_437 = tpu.memref_slice %arg2[%add3A_434, %dma_start3A_436] : memref<16384x1024xf32, #tpu.memory_space<hbm>> -> memref<32x1024xf32, #tpu.memory_space<hbm>>
    %dma_start3A_438 = tpu.memref_slice %arg8[%dma_start3A_435] : memref<2x!tpu.dma_semaphore, #tpu.memory_space<semaphore_mem>> -> memref<1x!tpu.dma_semaphore, #tpu.memory_space<semaphore_mem>>
    %dma_start3A_439 = tpu.memref_squeeze %dma_start3A_438 : memref<1x!tpu.dma_semaphore, #tpu.memory_space<semaphore_mem>> -> memref<!tpu.dma_semaphore, #tpu.memory_space<semaphore_mem>>
    %dma_start3A_440 = arith.constant 0 : i32
    %dma_start3A_441 = tpu.memref_slice %arg2[%add3A_434, %dma_start3A_440] : memref<16384x1024xf32, #tpu.memory_space<hbm>> -> memref<32x1024xf32, #tpu.memory_space<hbm>>
    tpu.enqueue_dma source(%dma_start3A_441 : memref<32x1024xf32, #tpu.memory_space<hbm>>) target(%arg5 : memref<32x1024xf32, #tpu.memory_space<vmem>>) target_semaphore(%dma_start3A_439 : memref<!tpu.dma_semaphore, #tpu.memory_space<semaphore_mem>>)
    %dma_wait3A_442 = arith.constant 1 : i32
    %dma_wait3A_443 = arith.constant 0 : i32
    %dma_wait3A_444 = tpu.memref_slice %arg2[%add3A_402, %dma_wait3A_443] : memref<16384x1024xf32, #tpu.memory_space<hbm>> -> memref<32x1024xf32, #tpu.memory_space<hbm>>
    %dma_wait3A_445 = tpu.memref_slice %arg8[%dma_wait3A_442] : memref<2x!tpu.dma_semaphore, #tpu.memory_space<semaphore_mem>> -> memref<1x!tpu.dma_semaphore, #tpu.memory_space<semaphore_mem>>
    %dma_wait3A_446 = tpu.memref_squeeze %dma_wait3A_445 : memref<1x!tpu.dma_semaphore, #tpu.memory_space<semaphore_mem>> -> memref<!tpu.dma_semaphore, #tpu.memory_space<semaphore_mem>>
    %dma_wait3A_447 = arith.constant 0 : i32
    %dma_wait3A_448 = tpu.memref_slice %arg2[%add3A_402, %dma_wait3A_447] : memref<16384x1024xf32, #tpu.memory_space<hbm>> -> memref<32x1024xf32, #tpu.memory_space<hbm>>
    tpu.wait_dma2 semaphore(%dma_wait3A_446 : memref<!tpu.dma_semaphore, #tpu.memory_space<semaphore_mem>>) src(%dma_wait3A_448 : memref<32x1024xf32, #tpu.memory_space<hbm>>) dst(%arg6 : memref<32x1024xf32, #tpu.memory_space<vmem>>)
    %add3A_449 = arith.constant 416 : i32
    %add3A_450 = arith.addi %mul3A_2, %add3A_449 : i32
    %dma_start3A_451 = arith.constant 1 : i32
    %dma_start3A_452 = arith.constant 0 : i32
    %dma_start3A_453 = tpu.memref_slice %arg4[%add3A_450, %dma_start3A_452] : memref<16384x1024xf32, #tpu.memory_space<hbm>> -> memref<32x1024xf32, #tpu.memory_space<hbm>>
    %dma_start3A_454 = tpu.memref_slice %arg9[%dma_start3A_451] : memref<2x!tpu.dma_semaphore, #tpu.memory_space<semaphore_mem>> -> memref<1x!tpu.dma_semaphore, #tpu.memory_space<semaphore_mem>>
    %dma_start3A_455 = tpu.memref_squeeze %dma_start3A_454 : memref<1x!tpu.dma_semaphore, #tpu.memory_space<semaphore_mem>> -> memref<!tpu.dma_semaphore, #tpu.memory_space<semaphore_mem>>
    %dma_start3A_456 = arith.constant 0 : i32
    %dma_start3A_457 = tpu.memref_slice %arg4[%add3A_450, %dma_start3A_456] : memref<16384x1024xf32, #tpu.memory_space<hbm>> -> memref<32x1024xf32, #tpu.memory_space<hbm>>
    tpu.enqueue_dma source(%arg6 : memref<32x1024xf32, #tpu.memory_space<vmem>>) target(%dma_start3A_457 : memref<32x1024xf32, #tpu.memory_space<hbm>>) target_semaphore(%dma_start3A_455 : memref<!tpu.dma_semaphore, #tpu.memory_space<semaphore_mem>>)
    %dma_wait3A_458 = arith.constant 1 : i32
    %dma_wait3A_459 = arith.constant 0 : i32
    %dma_wait3A_460 = tpu.memref_slice %arg4[%add3A_450, %dma_wait3A_459] : memref<16384x1024xf32, #tpu.memory_space<hbm>> -> memref<32x1024xf32, #tpu.memory_space<hbm>>
    %dma_wait3A_461 = tpu.memref_slice %arg9[%dma_wait3A_458] : memref<2x!tpu.dma_semaphore, #tpu.memory_space<semaphore_mem>> -> memref<1x!tpu.dma_semaphore, #tpu.memory_space<semaphore_mem>>
    %dma_wait3A_462 = tpu.memref_squeeze %dma_wait3A_461 : memref<1x!tpu.dma_semaphore, #tpu.memory_space<semaphore_mem>> -> memref<!tpu.dma_semaphore, #tpu.memory_space<semaphore_mem>>
    %dma_wait3A_463 = arith.constant 0 : i32
    %dma_wait3A_464 = tpu.memref_slice %arg4[%add3A_450, %dma_wait3A_463] : memref<16384x1024xf32, #tpu.memory_space<hbm>> -> memref<32x1024xf32, #tpu.memory_space<hbm>>
    tpu.wait_dma2 semaphore(%dma_wait3A_462 : memref<!tpu.dma_semaphore, #tpu.memory_space<semaphore_mem>>) src(%arg6 : memref<32x1024xf32, #tpu.memory_space<vmem>>) dst(%dma_wait3A_464 : memref<32x1024xf32, #tpu.memory_space<hbm>>)
    %add3A_465 = arith.constant 480 : i32
    %add3A_466 = arith.addi %mul3A_2, %add3A_465 : i32
    %dma_start3A_467 = arith.constant 1 : i32
    %dma_start3A_468 = arith.constant 0 : i32
    %dma_start3A_469 = tpu.memref_slice %arg2[%add3A_466, %dma_start3A_468] : memref<16384x1024xf32, #tpu.memory_space<hbm>> -> memref<32x1024xf32, #tpu.memory_space<hbm>>
    %dma_start3A_470 = tpu.memref_slice %arg8[%dma_start3A_467] : memref<2x!tpu.dma_semaphore, #tpu.memory_space<semaphore_mem>> -> memref<1x!tpu.dma_semaphore, #tpu.memory_space<semaphore_mem>>
    %dma_start3A_471 = tpu.memref_squeeze %dma_start3A_470 : memref<1x!tpu.dma_semaphore, #tpu.memory_space<semaphore_mem>> -> memref<!tpu.dma_semaphore, #tpu.memory_space<semaphore_mem>>
    %dma_start3A_472 = arith.constant 0 : i32
    %dma_start3A_473 = tpu.memref_slice %arg2[%add3A_466, %dma_start3A_472] : memref<16384x1024xf32, #tpu.memory_space<hbm>> -> memref<32x1024xf32, #tpu.memory_space<hbm>>
    tpu.enqueue_dma source(%dma_start3A_473 : memref<32x1024xf32, #tpu.memory_space<hbm>>) target(%arg6 : memref<32x1024xf32, #tpu.memory_space<vmem>>) target_semaphore(%dma_start3A_471 : memref<!tpu.dma_semaphore, #tpu.memory_space<semaphore_mem>>)
    %dma_wait3A_474 = arith.constant 0 : i32
    %dma_wait3A_475 = arith.constant 0 : i32
    %dma_wait3A_476 = tpu.memref_slice %arg2[%add3A_434, %dma_wait3A_475] : memref<16384x1024xf32, #tpu.memory_space<hbm>> -> memref<32x1024xf32, #tpu.memory_space<hbm>>
    %dma_wait3A_477 = tpu.memref_slice %arg8[%dma_wait3A_474] : memref<2x!tpu.dma_semaphore, #tpu.memory_space<semaphore_mem>> -> memref<1x!tpu.dma_semaphore, #tpu.memory_space<semaphore_mem>>
    %dma_wait3A_478 = tpu.memref_squeeze %dma_wait3A_477 : memref<1x!tpu.dma_semaphore, #tpu.memory_space<semaphore_mem>> -> memref<!tpu.dma_semaphore, #tpu.memory_space<semaphore_mem>>
    %dma_wait3A_479 = arith.constant 0 : i32
    %dma_wait3A_480 = tpu.memref_slice %arg2[%add3A_434, %dma_wait3A_479] : memref<16384x1024xf32, #tpu.memory_space<hbm>> -> memref<32x1024xf32, #tpu.memory_space<hbm>>
    tpu.wait_dma2 semaphore(%dma_wait3A_478 : memref<!tpu.dma_semaphore, #tpu.memory_space<semaphore_mem>>) src(%dma_wait3A_480 : memref<32x1024xf32, #tpu.memory_space<hbm>>) dst(%arg5 : memref<32x1024xf32, #tpu.memory_space<vmem>>)
    %add3A_481 = arith.constant 448 : i32
    %add3A_482 = arith.addi %mul3A_2, %add3A_481 : i32
    %dma_start3A_483 = arith.constant 0 : i32
    %dma_start3A_484 = arith.constant 0 : i32
    %dma_start3A_485 = tpu.memref_slice %arg4[%add3A_482, %dma_start3A_484] : memref<16384x1024xf32, #tpu.memory_space<hbm>> -> memref<32x1024xf32, #tpu.memory_space<hbm>>
    %dma_start3A_486 = tpu.memref_slice %arg9[%dma_start3A_483] : memref<2x!tpu.dma_semaphore, #tpu.memory_space<semaphore_mem>> -> memref<1x!tpu.dma_semaphore, #tpu.memory_space<semaphore_mem>>
    %dma_start3A_487 = tpu.memref_squeeze %dma_start3A_486 : memref<1x!tpu.dma_semaphore, #tpu.memory_space<semaphore_mem>> -> memref<!tpu.dma_semaphore, #tpu.memory_space<semaphore_mem>>
    %dma_start3A_488 = arith.constant 0 : i32
    %dma_start3A_489 = tpu.memref_slice %arg4[%add3A_482, %dma_start3A_488] : memref<16384x1024xf32, #tpu.memory_space<hbm>> -> memref<32x1024xf32, #tpu.memory_space<hbm>>
    tpu.enqueue_dma source(%arg5 : memref<32x1024xf32, #tpu.memory_space<vmem>>) target(%dma_start3A_489 : memref<32x1024xf32, #tpu.memory_space<hbm>>) target_semaphore(%dma_start3A_487 : memref<!tpu.dma_semaphore, #tpu.memory_space<semaphore_mem>>)
    %dma_wait3A_490 = arith.constant 1 : i32
    %dma_wait3A_491 = arith.constant 0 : i32
    %dma_wait3A_492 = tpu.memref_slice %arg2[%add3A_466, %dma_wait3A_491] : memref<16384x1024xf32, #tpu.memory_space<hbm>> -> memref<32x1024xf32, #tpu.memory_space<hbm>>
    %dma_wait3A_493 = tpu.memref_slice %arg8[%dma_wait3A_490] : memref<2x!tpu.dma_semaphore, #tpu.memory_space<semaphore_mem>> -> memref<1x!tpu.dma_semaphore, #tpu.memory_space<semaphore_mem>>
    %dma_wait3A_494 = tpu.memref_squeeze %dma_wait3A_493 : memref<1x!tpu.dma_semaphore, #tpu.memory_space<semaphore_mem>> -> memref<!tpu.dma_semaphore, #tpu.memory_space<semaphore_mem>>
    %dma_wait3A_495 = arith.constant 0 : i32
    %dma_wait3A_496 = tpu.memref_slice %arg2[%add3A_466, %dma_wait3A_495] : memref<16384x1024xf32, #tpu.memory_space<hbm>> -> memref<32x1024xf32, #tpu.memory_space<hbm>>
    tpu.wait_dma2 semaphore(%dma_wait3A_494 : memref<!tpu.dma_semaphore, #tpu.memory_space<semaphore_mem>>) src(%dma_wait3A_496 : memref<32x1024xf32, #tpu.memory_space<hbm>>) dst(%arg6 : memref<32x1024xf32, #tpu.memory_space<vmem>>)
    %add3A_497 = arith.constant 480 : i32
    %add3A_498 = arith.addi %mul3A_2, %add3A_497 : i32
    %dma_start3A_499 = arith.constant 1 : i32
    %dma_start3A_500 = arith.constant 0 : i32
    %dma_start3A_501 = tpu.memref_slice %arg4[%add3A_498, %dma_start3A_500] : memref<16384x1024xf32, #tpu.memory_space<hbm>> -> memref<32x1024xf32, #tpu.memory_space<hbm>>
    %dma_start3A_502 = tpu.memref_slice %arg9[%dma_start3A_499] : memref<2x!tpu.dma_semaphore, #tpu.memory_space<semaphore_mem>> -> memref<1x!tpu.dma_semaphore, #tpu.memory_space<semaphore_mem>>
    %dma_start3A_503 = tpu.memref_squeeze %dma_start3A_502 : memref<1x!tpu.dma_semaphore, #tpu.memory_space<semaphore_mem>> -> memref<!tpu.dma_semaphore, #tpu.memory_space<semaphore_mem>>
    %dma_start3A_504 = arith.constant 0 : i32
    %dma_start3A_505 = tpu.memref_slice %arg4[%add3A_498, %dma_start3A_504] : memref<16384x1024xf32, #tpu.memory_space<hbm>> -> memref<32x1024xf32, #tpu.memory_space<hbm>>
    tpu.enqueue_dma source(%arg6 : memref<32x1024xf32, #tpu.memory_space<vmem>>) target(%dma_start3A_505 : memref<32x1024xf32, #tpu.memory_space<hbm>>) target_semaphore(%dma_start3A_503 : memref<!tpu.dma_semaphore, #tpu.memory_space<semaphore_mem>>)
    %dma_wait3A_506 = arith.constant 0 : i32
    %dma_wait3A_507 = arith.constant 0 : i32
    %dma_wait3A_508 = tpu.memref_slice %arg4[%add3A_482, %dma_wait3A_507] : memref<16384x1024xf32, #tpu.memory_space<hbm>> -> memref<32x1024xf32, #tpu.memory_space<hbm>>
    %dma_wait3A_509 = tpu.memref_slice %arg9[%dma_wait3A_506] : memref<2x!tpu.dma_semaphore, #tpu.memory_space<semaphore_mem>> -> memref<1x!tpu.dma_semaphore, #tpu.memory_space<semaphore_mem>>
    %dma_wait3A_510 = tpu.memref_squeeze %dma_wait3A_509 : memref<1x!tpu.dma_semaphore, #tpu.memory_space<semaphore_mem>> -> memref<!tpu.dma_semaphore, #tpu.memory_space<semaphore_mem>>
    %dma_wait3A_511 = arith.constant 0 : i32
    %dma_wait3A_512 = tpu.memref_slice %arg4[%add3A_482, %dma_wait3A_511] : memref<16384x1024xf32, #tpu.memory_space<hbm>> -> memref<32x1024xf32, #tpu.memory_space<hbm>>
    tpu.wait_dma2 semaphore(%dma_wait3A_510 : memref<!tpu.dma_semaphore, #tpu.memory_space<semaphore_mem>>) src(%arg5 : memref<32x1024xf32, #tpu.memory_space<vmem>>) dst(%dma_wait3A_512 : memref<32x1024xf32, #tpu.memory_space<hbm>>)
    %dma_wait3A_513 = arith.constant 1 : i32
    %dma_wait3A_514 = arith.constant 0 : i32
    %dma_wait3A_515 = tpu.memref_slice %arg4[%add3A_498, %dma_wait3A_514] : memref<16384x1024xf32, #tpu.memory_space<hbm>> -> memref<32x1024xf32, #tpu.memory_space<hbm>>
    %dma_wait3A_516 = tpu.memref_slice %arg9[%dma_wait3A_513] : memref<2x!tpu.dma_semaphore, #tpu.memory_space<semaphore_mem>> -> memref<1x!tpu.dma_semaphore, #tpu.memory_space<semaphore_mem>>
    %dma_wait3A_517 = tpu.memref_squeeze %dma_wait3A_516 : memref<1x!tpu.dma_semaphore, #tpu.memory_space<semaphore_mem>> -> memref<!tpu.dma_semaphore, #tpu.memory_space<semaphore_mem>>
    %dma_wait3A_518 = arith.constant 0 : i32
    %dma_wait3A_519 = tpu.memref_slice %arg4[%add3A_498, %dma_wait3A_518] : memref<16384x1024xf32, #tpu.memory_space<hbm>> -> memref<32x1024xf32, #tpu.memory_space<hbm>>
    tpu.wait_dma2 semaphore(%dma_wait3A_517 : memref<!tpu.dma_semaphore, #tpu.memory_space<semaphore_mem>>) src(%arg6 : memref<32x1024xf32, #tpu.memory_space<vmem>>) dst(%dma_wait3A_519 : memref<32x1024xf32, #tpu.memory_space<hbm>>)
    return
  }
}

module attributes {stable_mosaic.version = 14 : i64} {
  func.func @_x_kernel(%arg0: i32, %arg1: memref<8192x256xf32, #tpu.memory_space<vmem>>, %arg2: memref<2x256xf32, #tpu.memory_space<vmem>>, %arg3: memref<8192x256xf32, #tpu.memory_space<vmem>>) attributes {dimension_semantics = [#tpu.dimension_semantics<parallel>], iteration_bounds = array<i64: 32>, scalar_prefetch = 0 : i64, scratch_operands = 0 : i64, tpu.core_type = #tpu.core_type<tc>, window_params = [{transform_indices = @transform_0, window_bounds = array<i64: 8192, 256>}, {pipeline_mode = #tpu.pipeline_mode<synchronous>, transform_indices = @transform_1, window_bounds = array<i64: 2, 256>}, {transform_indices = @transform_2, window_bounds = array<i64: 8192, 256>}]} {
    %get3A = arith.constant 0 : index
    %get3A_0 = arith.constant 0 : index
    %get3A_1 = vector.load %arg1[%get3A, %get3A_0] : memref<8192x256xf32, #tpu.memory_space<vmem>>, vector<8192x256xf32>
    %swap3A = arith.constant 0 : index
    %swap3A_2 = arith.constant 0 : index
    %swap3A_3 = vector.load %arg3[%swap3A, %swap3A_2] : memref<8192x256xf32, #tpu.memory_space<vmem>>, vector<8192x256xf32>
    tpu.vector_store %arg3[%swap3A, %swap3A_2], %get3A_1 {strides = array<i32>} : memref<8192x256xf32, #tpu.memory_space<vmem>>, vector<8192x256xf32>,
    %eq3A = arith.constant 0 : i32
    %eq3A_4 = arith.cmpi eq, %arg0, %eq3A : i32
    %convert_element_type3A = arith.extui %eq3A_4 : i1 to i32
    %cond3A = arith.constant 0 : i32
    %cond3A_5 = arith.cmpi ne, %convert_element_type3A, %cond3A : i32
    scf.if %cond3A_5 {
      %get3A_6 = arith.constant 0 : index
      %get3A_7 = arith.constant 0 : index
      %get3A_8 = vector.load %arg1[%get3A_6, %get3A_7] : memref<8192x256xf32, #tpu.memory_space<vmem>>, vector<16x256xf32>
      %iota3A = tpu.iota {dimensions = array<i32: 0>} : vector<16x256xi32>
      %eq3A_9 = arith.constant 10 : i32
      %eq3A_10 = vector.broadcast %eq3A_9 : i32 to vector<16x256xi32>
      %eq3A_11 = arith.cmpi eq, %iota3A, %eq3A_10 : vector<16x256xi32>
      %get3A_12 = arith.constant 0 : index
      %get3A_13 = arith.constant 0 : index
      %get3A_14 = vector.load %arg2[%get3A_12, %get3A_13] : memref<2x256xf32, #tpu.memory_space<vmem>>, vector<1x256xf32>
      %broadcast_in_dim3A = vector.shape_cast %get3A_14 : vector<1x256xf32> to vector<1x256xf32>
      %broadcast_in_dim3A_15 = vector.broadcast %broadcast_in_dim3A : vector<1x256xf32> to vector<16x256xf32>
      %select_n3A = arith.select %eq3A_11, %broadcast_in_dim3A_15, %get3A_8 : vector<16x256xi1>, vector<16x256xf32>
      %eq3A_16 = arith.constant 2 : i32
      %eq3A_17 = vector.broadcast %eq3A_16 : i32 to vector<16x256xi32>
      %eq3A_18 = arith.cmpi eq, %iota3A, %eq3A_17 : vector<16x256xi32>
      %get3A_19 = arith.constant 1 : index
      %get3A_20 = arith.constant 0 : index
      %get3A_21 = vector.load %arg2[%get3A_19, %get3A_20] : memref<2x256xf32, #tpu.memory_space<vmem>>, vector<1x256xf32>
      %broadcast_in_dim3A_22 = vector.shape_cast %get3A_21 : vector<1x256xf32> to vector<1x256xf32>
      %broadcast_in_dim3A_23 = vector.broadcast %broadcast_in_dim3A_22 : vector<1x256xf32> to vector<16x256xf32>
      %select_n3A_24 = arith.select %eq3A_18, %broadcast_in_dim3A_23, %select_n3A : vector<16x256xi1>, vector<16x256xf32>
      %eq3A_25 = arith.constant 1 : i32
      %eq3A_26 = vector.broadcast %eq3A_25 : i32 to vector<16x256xi32>
      %eq3A_27 = arith.cmpi eq, %iota3A, %eq3A_26 : vector<16x256xi32>
      %jit3A = arith.constant 4.500000e+01 : f32
      %broadcast_in_dim3A_28 = vector.broadcast %jit3A : f32 to vector<16x256xf32>
      %select_n3A_29 = arith.select %eq3A_27, %broadcast_in_dim3A_28, %select_n3A_24 : vector<16x256xi1>, vector<16x256xf32>
      %swap3A_30 = arith.constant 0 : index
      %swap3A_31 = arith.constant 0 : index
      %swap3A_32 = vector.load %arg3[%swap3A_30, %swap3A_31] : memref<8192x256xf32, #tpu.memory_space<vmem>>, vector<16x256xf32>
      tpu.vector_store %arg3[%swap3A_30, %swap3A_31], %select_n3A_29 {strides = array<i32>} : memref<8192x256xf32, #tpu.memory_space<vmem>>, vector<16x256xf32>,
    } else {
    }
    return
  }
  func.func @transform_0(%arg0: i32) -> (i32, i32) {
    %c0_i32 = arith.constant 0 : i32
    %c0_i32_0 = arith.constant 0 : i32
    return %arg0, %c0_i32 : i32, i32
  }
  func.func @transform_1(%arg0: i32) -> (i32, i32) {
    %c0_i32 = arith.constant 0 : i32
    %c0_i32_0 = arith.constant 0 : i32
    %c0_i32_1 = arith.constant 0 : i32
    return %c0_i32, %c0_i32_0 : i32, i32
  }
  func.func @transform_2(%arg0: i32) -> (i32, i32) {
    %c0_i32 = arith.constant 0 : i32
    %c0_i32_0 = arith.constant 0 : i32
    return %arg0, %c0_i32 : i32, i32
  }
}

</mosaic_0001>

<sc_bundles>
// kernel: kernel.4.cloned.1.call-start
scs
__scs_entry_jumppad:
0x0: {  	(pc) =	sbr.rel $0x88, $3  }
0x1: {  	(tag) =	ssettag $0x0;
	lr =	simm.s32 $0x1  }
0x2: {  	[smem:$0x3F9D] =	sst lr;
	_ =	strace $0xD0000000  }
0x3: {  	_ = 	snop  }
0x4: {  	_ = 	snop  }
0x5: {  	_ = 	snop  }
0x6: {  	_ = 	snop  }
0x7: {  	_ = 	snop  }
__scs_overlays_trampoline_lowered:
0x8: {  	[smem:$0x3FAC] =	sst s0  }
0x9: {  	[smem:$0x3FAD] =	sst s1  }
0xa: {  	[smem:$0x3FAE] =	sst s2  }
0xb: {  	[smem:$0x3FAF] =	sst s3  }
0xc: {  	[smem:$0x3FB0] =	sst s4  }
0xd: {  	[smem:$0x3FB1] =	sst s5  }
0xe: {  	[smem:$0x3FB2] =	sst s6  }
0xf: {  	[smem:$0x3FB3] =	sst s7  }
0x10: {  	[smem:$0x3FB4] =	sst s8  }
0x11: {  	[smem:$0x3FB5] =	sst s9;
	s0 =	simm.s32 @!p0 $0x0  }
0x12: {  	s1 =	sld [smem:$0x3F9B];
	s0 =	simm.s32 @p0 $0x1  }
0x13: {  	[smem:$0x3FB6] =	sst s0;
	s0 =	simm.s32 @!p1 $0x0  }
0x14: {  	s2 =	sld [smem:$0x3F9A];
	s0 =	simm.s32 @p1 $0x1  }
0x15: {  	[smem:$0x3FB7] =	sst s0;
	s0 =	simm.s32 @!p2 $0x0  }
0x16: {  	s3 =	sld [smem:$0x3FDB];
	s0 =	simm.s32 @p2 $0x1  }
0x17: {  	s4 =	simm.s32 $0x1BF5;
	[smem:$0x3FB9] =	sst s0  }
0x18: {  	s0 =	sld [smem:$0x3F9C];
	_ =	swait.ge [sflag:s4], $0x0  }
0x19: {  	s7 =	sld [smem:$0x3F9D]  }
0x1a: {  	s8 =	sadd.s32 $0xFFFFE003, lr  }
0x1b: {  	s9 =	sadd.s32 $0xFFFFFEF7, lr;
	s5 =	simm.s32 $0xFFFFFFFF;
	p2 =	slt.u32 s8, $0xFFFFF086  }
0x1c: {  	p1 =	slt.u32 s9, $0xF7A;
	s5 =	simm.s32 @!p2 $0x0  }
0x1d: {  	s5 =	simm.s32 @p1 $0x1;
	p0 =	seq.s32 s7, s2  }
0x1e: {  	s7 =	smul.u32 @!p0 $0xF7A, s2;
	p2 =	seq.s32 @!p0 s5, $0x0  }
0x1f: {  	s9 =	smul.u32 $0xF7A, s1;
	s8 =	simm.s32 @!p0 $0x1BF5;
	p2 =	por !p2, p0  }
0x20: {  	[sflag:s8] =	ssyncset.s32 @!p0 $0xFFFFF086;
	s6 =	sadd.s32 @!p0 s3, s7;
	s7 =	simm.s32 @!p0 $0x108  }
0x21: {  	s3 =	sadd.s32 s3, s9;
	s6 =	sadd.s32 @!p0 $0x88, s6;
	s7 =	simm.s32 @p2 $0x1082  }
0x22: {  	[simem:s7], [sflag:s8] =	dma.local @!p0 [hbm:s6], $0xF7A  }
0x23: {  	s9 =	sor.u32 $0xD0000000, s2;
	s6 =	simm.s32 $0x108;
	_ =	swait.ge @!p0 [sflag:s8], $0x0  }
0x24: {  	s3 =	sadd.s32 $0x88, s3;
	s6 =	simm.s32 @!p1 $0x1082;
	[sflag:s4] =	ssyncset.s32 $0xFFFFF086  }
0x25: {  	[simem:s6], [sflag:s4] =	dma.local [hbm:s3], $0xF7A  }
0x26: {  	[smem:$0x3F9D] =	sst s1;
	(tag) =	ssettag s2;
	_ =	strace s9  }
0x27: {  	s1 =	sld [smem:$0x3FAD]  }
0x28: {  	s2 =	sld [smem:$0x3FAE]  }
0x29: {  	s4 =	sld [smem:$0x3FB0]  }
0x2a: {  	p0 =	seq.s32 s5, $0x0;
	s5 =	sld [smem:$0x3FB1]  }
0x2b: {  	s6 =	sld [smem:$0x3FB2]  }
0x2c: {  	s7 =	sld [smem:$0x3FB3]  }
0x2d: {  	s3 =	simm.s32 $0x108;
	s8 =	sld [smem:$0x3FB4]  }
0x2e: {  	s3 =	simm.s32 @!p0 $0x1082;
	s9 =	sld [smem:$0x3FB5]  }
0x2f: {  	lr =	sadd.s32 s0, s3;
	s0 =	sld [smem:$0x3FAC]  }
0x30: {  	s3 =	sld [smem:$0x3FAF]  }
0x31: {  	[smem:$0x3FB8] =	sst s10  }
0x32: {  	s10 =	sld [smem:$0x3FB6];
	_ =	sdelay $0x3  }
0x33: {  	p0 =	seq.s32 s10, $0x1;
	s10 =	sld [smem:$0x3FB8];
	_ =	sdelay $0x3  }
0x34: {  	[smem:$0x3FB8] =	sst s10  }
0x35: {  	s10 =	sld [smem:$0x3FB7];
	_ =	sdelay $0x3  }
0x36: {  	p1 =	seq.s32 s10, $0x1;
	s10 =	sld [smem:$0x3FB8];
	_ =	sdelay $0x3  }
0x37: {  	[smem:$0x3FB8] =	sst s10  }
0x38: {  	s10 =	sld [smem:$0x3FB9]  }
0x39: {  	_ = 	snop;
	(pc) =	sbr.ind lr, $3  }
0x3a: {  	_ = 	snop  }
0x3b: {  	_ = 	snop  }
0x3c: {  	p2 =	seq.s32 s10, $0x1;
	s10 =	sld [smem:$0x3FB8]  }
0x3d: {  	_ =	shalt  }
0x3e: {  	_ =	shalt  }
0x3f: {  	_ =	shalt  }
0x40: {  	_ =	shalt  }
0x41: {  	_ =	shalt  }
0x42: {  	_ =	shalt  }
0x43: {  	_ =	shalt  }
0x44: {  	_ =	shalt  }
0x45: {  	_ =	shalt  }
0x46: {  	_ =	shalt  }
0x47: {  	_ =	shalt  }
0x48: {  	_ =	shalt  }
0x49: {  	_ =	shalt  }
0x4a: {  	_ =	shalt  }
0x4b: {  	_ =	shalt  }
0x4c: {  	_ =	shalt  }
0x4d: {  	_ =	shalt  }
0x4e: {  	_ =	shalt  }
0x4f: {  	_ =	shalt  }
0x50: {  	_ =	shalt  }
0x51: {  	_ =	shalt  }
0x52: {  	_ =	shalt  }
0x53: {  	_ =	shalt  }
0x54: {  	_ =	shalt  }
0x55: {  	_ =	shalt  }
0x56: {  	_ =	shalt  }
0x57: {  	_ =	shalt  }
0x58: {  	_ =	shalt  }
0x59: {  	_ =	shalt  }
0x5a: {  	_ =	shalt  }
0x5b: {  	_ =	shalt  }
0x5c: {  	_ =	shalt  }
0x5d: {  	_ =	shalt  }
0x5e: {  	_ =	shalt  }
0x5f: {  	_ =	shalt  }
0x60: {  	_ =	shalt  }
0x61: {  	_ =	shalt  }
0x62: {  	_ =	shalt  }
0x63: {  	_ =	shalt  }
0x64: {  	_ =	shalt  }
0x65: {  	_ =	shalt  }
0x66: {  	_ =	shalt  }
0x67: {  	_ =	shalt  }
0x68: {  	_ =	shalt  }
0x69: {  	_ =	shalt  }
0x6a: {  	_ =	shalt  }
0x6b: {  	_ =	shalt  }
0x6c: {  	_ =	shalt  }
0x6d: {  	_ =	shalt  }
0x6e: {  	_ =	shalt  }
0x6f: {  	_ =	shalt  }
0x70: {  	_ =	shalt  }
0x71: {  	_ =	shalt  }
0x72: {  	_ =	shalt  }
0x73: {  	_ =	shalt  }
0x74: {  	_ =	shalt  }
0x75: {  	_ =	shalt  }
0x76: {  	_ =	shalt  }
0x77: {  	_ =	shalt  }
0x78: {  	_ =	shalt  }
0x79: {  	_ =	shalt  }
0x7a: {  	_ =	shalt  }
0x7b: {  	_ =	shalt  }
0x7c: {  	_ =	shalt  }
0x7d: {  	_ =	shalt  }
0x7e: {  	_ =	shalt  }
0x7f: {  	_ =	shalt  }
0x80: {  	_ =	shalt  }
0x81: {  	_ =	shalt  }
0x82: {  	_ =	shalt  }
0x83: {  	_ =	shalt  }
0x84: {  	_ =	shalt  }
0x85: {  	_ =	shalt  }
0x86: {  	_ =	shalt  }
0x87: {  	_ =	shalt  }
.Lfunc_end0:
.L_simem_size_0:
called_computation_lowered:
.L_overlay_start_0:
0x88: {  	s2 =	sld [smem:$0x3FD9]  }
0x89: {  	s3 =	sld [smem:$0x3FFE];
	_ =	sdelay $0x1  }
0x8a: {  	s1 =	srdreg.scid  }
0x8b: {  	s0 =	sand.u32 $0x1, s1  }
0x8c: {  	s14 =	sshll.u32 s0, $0xA;
	s2 =	sadd.s32 s3, s2  }
0x8d: {  	s2 =	sadd.s32 s2, s14  }
0x8e: {  	[smem:$0x3FC4] =	sst s2  }
0x8f: {  	_ = 	snop  }
0x90: {  	s2 =	sld [smem:$0x3FD0];
	_ =	sdelay $0x2  }
0x91: {  	s4 =	simm.s32 $0xA;
	s5 =	simm.s32 $0x10;
	s15 =	sld [smem:$0x3FC7]  }
0x92: {  	[smem:s5], [sflag:s4] =	dma.local [hbm:s2], $0x1  }
0x93: {  	_ =	swait.eq [sflag:s4], $0x1  }
0x94: {  	[sflag:s4] =	ssyncset.done $0x0  }
0x95: {  	[sflag:s4] =	ssyncadd.s32 $0xFFFFFFFF  }
0x96: {  	s16 =	sld [smem:$0x11];
	(tm) =	ssettm $0x1  }
0x97: {  	s17 =	sld [smem:$0x3FFB];
	_ =	sdelay $0x3  }
0x98: {  	_ =	strace s17  }
0x99: {  	s4 =	sld [smem:$0x3FFC];
	_ =	sdelay $0x3  }
0x9a: {  	_ =	strace s4  }
0x9b: {  	s4 =	sld [smem:$0x3FFD];
	_ =	sdelay $0x3  }
0x9c: {  	_ =	strace s4  }
0x9d: {  	_ =	strace $0x8FFFFFFF  }
0x9e: {  	s18 =	sld [smem:$0x3FDB];
	_ =	sdelay $0x1  }
0x9f: {  	s19 =	simm.s32 $_scs_section_size  }
0xa0: {  	s6 =	simm.s32 $_size__tile_overlayer_lowered;
	s7 =	simm.s32 $_tile_overlayer_lowered  }
0xa1: {  	s22 =	simm.s32 $0x1BFF;
	s21 =	sshll.u32 s7, $0x1;
	s4 =	sadd.s32 s19, s18  }
0xa2: {  	s8 =	simm.s32 $0x0;
	s20 =	sshll.u32 s6, $0x1;
	s6 =	sadd.s32 s21, s4  }
0xa3: {  	[timem:s8], [sflag:s22] =	dma.local [hbm:s6], s20  }
0xa4: {  	_ =	swait.ge [sflag:s22], s20  }
0xa5: {  	s5 =	ssub.s32 $0x0, s20;
	[sflag:s22] =	ssyncset.done $0x0  }
0xa6: {  	[sflag:s22] =	ssyncadd.s32 s5;
	_ =	sdelay $0x1  }
0xa7: {  	s23 =	simm.s32 $0x1B8B  }
0xa8: {  	_ =	swait.ge [sflag:s23], $0x1  }
0xa9: {  	[sflag:s23] =	ssyncset.done $0x0  }
0xaa: {  	s25 =	simm.s32 $0x1B8E;
	s24 =	sld [smem:$0x3FFE];
	[sflag:s23] =	ssyncadd.s32 $0xFFFFFFFF  }
0xab: {  	s26 =	simm.s32 $execute0_lowered;
	[smem:$0x3FD2] =	sst s25  }
0xac: {  	s6 =	sshll.u32 s26, $0x1;
	_ =	strace $0x80000046;
	[dreg:$0x1] =	wrdreg $0xFFFFFFFF  }
0xad: {  	s28 =	simm.s32 $_size_execute0_lowered;
	s4 =	sadd.s32 s4, s6;
	[dreg:$0x0] =	wrdreg $0x0  }
0xae: {  	s6 =	sshll.u32 s28, $0x1;
	[dreg:$0x2] =	wrdreg s4  }
0xaf: {  	[dreg:$0x3] =	wrdreg s6  }
0xb0: {  	[dreg:$0x4] =	wrdreg $0xC0  }
0xb1: {  	_ =	task [dreg:s8], $0x5FFFF  }
0xb2: {  	[dreg:$0x1] =	wrdreg $0xFFFFFFFF  }
0xb3: {  	[dreg:$0x0] =	wrdreg $0x60  }
0xb4: {  	[dreg:$0x2] =	wrdreg s15  }
0xb5: {  	[dreg:$0x3] =	wrdreg s24  }
0xb6: {  	[dreg:$0x4] =	wrdreg s16  }
0xb7: {  	[dreg:$0x5] =	wrdreg $0x9  }
0xb8: {  	_ =	task.clear_ibuf [dreg:s8], $0x6FFFF;
	_ =	strace $0x90000046  }
0xb9: {  	s29 =	simm.s32 $0x9;
	_ =	strace $0x80000048  }
0xba: {  	_ =	swait.ge [sflag:s29], $0x1  }
0xbb: {  	[sflag:s29] =	ssyncadd.s32 $0xFFFFFFFF  }
0xbc: {  	_ =	strace $0x90000048  }
0xbd: {  	_ =	sfence  }
0xbe: {  	s30 =	sld [smem:$0x0];
	_ =	sdelay $0x2  }
0xbf: {  	s31 =	sshll.u32 s1, $0xD;
	s1 =	sshrl.u32 s1, $0x2  }
0xc0: {  	s3 =	sand.u32 $0x4000, s31;
	s1 =	sadd.s32 s1, s30  }
0xc1: {  	s0 =	sor.u32 s3, s0;
	s1 =	sshll.u32 s1, $0x11  }
0xc2: {  	s0 =	sor.u32 s1, s0  }
0xc3: {  	s0 =	sadd.s32 $0x8F2B, s0  }
0xc4: {  	[sflag:s0] =	ssyncadd.remote.s32 $0x1  }
0xc5: {  	_ =	sfence.sel $0xFFFF  }
0xc6: {  	[dreg:$0x0] =	wrdreg $0xFFFFFFFF;
	(pc) =	sbr.abs _section_cstart, $3  }
0xc7: {  	[dreg:$0x1] =	wrdreg $0xFFFFFFFF  }
0xc8: {  	_ =	task.clear_ibuf [dreg:s8], $0x2FFFF;
	_ =	strace $0x9FFFFFFF  }
0xc9: {  	(tm) =	ssettm $0x7FFFFFFF  }
tec
execute0_lowered:
.L_overlay_start_1:
0x0: {  	(tag) =	ssettag $0x1  }
0x1: {  	s29 =	rddreg [dreg:$0x0]  }
0x2: {  	s4 =	srdreg.scid;
	s0 =	stileid.u32  }
0x3: {  	s3 =	rddreg [dreg:$0x1];
	s30 =	sand.u32 $0x1, s4;
	s25 =	sshll.u32 s0, $0x1  }
0x4: {  	s14 =	rddreg [dreg:$0x2];
	s2 =	simm.s32 $0x0;
	s4 =	sor.u32 s30, s25  }
0x5: {  	[smem:$0x7FF] =	sst s2;
	s3 =	sadd.s32 $0xA00, s3;
	s31 =	sshll.u32 s4, $0x10  }
0x6: {  	_ =	strace $0x80000047;
	[dreg:$0x4] =	wrdreg s3;
	s26 =	sadd.s32 s29, s31  }
0x7: {  	s5 =	sor.u32 $0x1000, s31;
	s1 =	sadd.s32 s14, s31;
	[dreg:$0x5] =	wrdreg s26  }
0x8: {  	s6 =	sor.u32 $0x2000, s31;
	s0 =	sadd.s32 s29, s5;
	[dreg:$0x7] =	wrdreg s1  }
0x9: {  	s7 =	sadd.s32 s29, s6;
	s11 =	sadd.s32 s14, s6;
	s6 =	rddreg [dreg:$0x4]  }
0xa: {  	[dreg:$0x6] =	wrdreg s0  }
0xb: {  	s9 =	sor.u32 $0x3000, s31;
	s8 =	sadd.s32 s14, s5;
	[dreg:$0x8] =	wrdreg s7  }
0xc: {  	s10 =	sadd.s32 s29, s9;
	[dreg:$0x9] =	wrdreg s8  }
0xd: {  	s12 =	sor.u32 $0x4000, s31;
	[dreg:$0xa] =	wrdreg s10  }
0xe: {  	s13 =	sadd.s32 s29, s12;
	[dreg:$0xb] =	wrdreg s11  }
0xf: {  	s15 =	sadd.s32 s14, s9;
	[dreg:$0xc] =	wrdreg s13  }
0x10: {  	p0 =	sne.s32 s4, $0x0;
	s17 =	sadd.s32 s14, s12;
	[dreg:$0xd] =	wrdreg s15  }
0x11: {  	s1 =	simm.s32 @!p0 $0x10000;
	s11 =	sor.u32 $0x5000, s31;
	[dreg:$0xf] =	wrdreg s17  }
0x12: {  	s13 =	sor.u32 $0x6000, s31;
	s0 =	simm.s32 @!p0 $0x0;
	s16 =	sadd.s32 s29, s11  }
0x13: {  	[tilespmem:s1], [sflag:$0x5] =	stream.linear.gather @!p0 [hbm4b:s6+s0], $0x100, $0x38;
	[tilespmem:$0x10100] =	vst v63  }
0x14: {  	s18 =	sadd.s32 s29, s13;
	[dreg:$0xe] =	wrdreg s16  }
0x15: {  	s5 =	simm.s32 @!p0 $0x5;
	[dreg:$0x10] =	wrdreg s18  }
0x16: {  	_ =	swait.ge @!p0 [sflag:s5], $0x100  }
0x17: {  	[sflag:s5] =	ssyncset.done @!p0 $0x0  }
0x18: {  	s19 =	rddreg [dreg:$0x5];
	[sflag:s5] =	ssyncadd.s32 @!p0 $0xFFFFFF00  }
0x19: {  	[tilespmem:s2], [sflag:$0x1] =	stream.linear.gather [hbm4b:s19+s2], $0x8000, $0x38;
	[tilespmem:$0x10100] =	vst v63  }
0x1a: {  	s7 =	simm.s32 $0x1;
	s6 =	simm.s32 $0x8000;
	s8 =	rddreg [dreg:$0x6]  }
0x1b: {  	[tilespmem:s6], [sflag:$0x2] =	stream.linear.gather [hbm4b:s8+s2], $0x8000, $0x38;
	[tilespmem:$0x10100] =	vst v63  }
0x1c: {  	_ =	swait.ge [sflag:s7], $0x8000  }
0x1d: {  	[sflag:s7] =	ssyncset.done $0x0  }
0x1e: {  	[sflag:s7] =	ssyncadd.s32 $0xFFFF8000  }
0x1f: {  	v0 =	vld @!p0 [tilespmem:$0x10080]  }
0x20: {  	v1 =	vld @!p0 [tilespmem:$0x0]  }
0x21: {  	v2 =	vld @!p0 [tilespmem:$0x80]  }
0x22: {  	v3 =	vld @!p0 [tilespmem:$0x10000];
	_ =	sdelay $0x3  }
0x23: {  	v0 =	vadd.f32 @!p0 v0, v2  }
0x24: {  	v1 =	vadd.f32 @!p0 v3, v1  }
0x25: {  	[tilespmem:$0x80] =	vst @!p0 v0  }
0x26: {  	s8 =	simm.s32 $0x3;
	s9 =	rddreg [dreg:$0x7];
	[tilespmem:$0x0] =	vst @!p0 v1  }
0x27: {  	[hbm4b:s9+s2] =	stream.linear.scatter [tilespmem:s2], [sflag:$0x3], $0x8000, $0x38;
	[tilespmem:$0x10100] =	vst v63  }
0x28: {  	_ =	swait.ge [sflag:s8], $0x8000  }
0x29: {  	[sflag:s8] =	ssyncset.done $0x0  }
0x2a: {  	s9 =	simm.s32 $0x2;
	s10 =	rddreg [dreg:$0x8];
	[sflag:s8] =	ssyncadd.s32 $0xFFFF8000  }
0x2b: {  	[tilespmem:s2], [sflag:$0x1] =	stream.linear.gather [hbm4b:s10+s2], $0x8000, $0x38;
	[tilespmem:$0x10100] =	vst v63  }
0x2c: {  	_ =	swait.ge [sflag:s9], $0x8000  }
0x2d: {  	[sflag:s9] =	ssyncset.done $0x0  }
0x2e: {  	s10 =	simm.s32 $0x4;
	s12 =	rddreg [dreg:$0x9];
	[sflag:s9] =	ssyncadd.s32 $0xFFFF8000  }
0x2f: {  	[hbm4b:s12+s2] =	stream.linear.scatter [tilespmem:s6], [sflag:$0x4], $0x8000, $0x38;
	[tilespmem:$0x10100] =	vst v63  }
0x30: {  	_ =	swait.ge [sflag:s10], $0x8000  }
0x31: {  	[sflag:s10] =	ssyncset.done $0x0  }
0x32: {  	s20 =	rddreg [dreg:$0xa];
	[sflag:s10] =	ssyncadd.s32 $0xFFFF8000  }
0x33: {  	[tilespmem:s6], [sflag:$0x2] =	stream.linear.gather [hbm4b:s20+s2], $0x8000, $0x38;
	[tilespmem:$0x10100] =	vst v63  }
0x34: {  	_ =	swait.ge [sflag:s7], $0x8000  }
0x35: {  	[sflag:s7] =	ssyncset.done $0x0  }
0x36: {  	s21 =	rddreg [dreg:$0xb];
	[sflag:s7] =	ssyncadd.s32 $0xFFFF8000  }
0x37: {  	[hbm4b:s21+s2] =	stream.linear.scatter [tilespmem:s2], [sflag:$0x3], $0x8000, $0x38;
	[tilespmem:$0x10100] =	vst v63  }
0x38: {  	_ =	swait.ge [sflag:s8], $0x8000  }
0x39: {  	[sflag:s8] =	ssyncset.done $0x0  }
0x3a: {  	s22 =	rddreg [dreg:$0xc];
	[sflag:s8] =	ssyncadd.s32 $0xFFFF8000  }
0x3b: {  	[tilespmem:s2], [sflag:$0x1] =	stream.linear.gather [hbm4b:s22+s2], $0x8000, $0x38;
	[tilespmem:$0x10100] =	vst v63  }
0x3c: {  	_ =	swait.ge [sflag:s9], $0x8000  }
0x3d: {  	[sflag:s9] =	ssyncset.done $0x0  }
0x3e: {  	s23 =	rddreg [dreg:$0xd];
	[sflag:s9] =	ssyncadd.s32 $0xFFFF8000  }
0x3f: {  	[hbm4b:s23+s2] =	stream.linear.scatter [tilespmem:s6], [sflag:$0x4], $0x8000, $0x38;
	[tilespmem:$0x10100] =	vst v63  }
0x40: {  	_ =	swait.ge [sflag:s10], $0x8000  }
0x41: {  	[sflag:s10] =	ssyncset.done $0x0  }
0x42: {  	s24 =	rddreg [dreg:$0xe];
	[sflag:s10] =	ssyncadd.s32 $0xFFFF8000  }
0x43: {  	[tilespmem:s6], [sflag:$0x2] =	stream.linear.gather [hbm4b:s24+s2], $0x8000, $0x38;
	[tilespmem:$0x10100] =	vst v63  }
0x44: {  	_ =	swait.ge [sflag:s7], $0x8000  }
0x45: {  	[sflag:s7] =	ssyncset.done $0x0  }
0x46: {  	s25 =	rddreg [dreg:$0xf];
	[sflag:s7] =	ssyncadd.s32 $0xFFFF8000  }
0x47: {  	[hbm4b:s25+s2] =	stream.linear.scatter [tilespmem:s2], [sflag:$0x3], $0x8000, $0x38;
	[tilespmem:$0x10100] =	vst v63  }
0x48: {  	_ =	swait.ge [sflag:s8], $0x8000  }
0x49: {  	[sflag:s8] =	ssyncset.done $0x0  }
0x4a: {  	s26 =	rddreg [dreg:$0x10];
	[sflag:s8] =	ssyncadd.s32 $0xFFFF8000  }
0x4b: {  	[tilespmem:s2], [sflag:$0x1] =	stream.linear.gather [hbm4b:s26+s2], $0x8000, $0x38;
	[tilespmem:$0x10100] =	vst v63  }
0x4c: {  	_ =	swait.ge [sflag:s9], $0x8000  }
0x4d: {  	[sflag:s9] =	ssyncset.done $0x0  }
0x4e: {  	s11 =	sadd.s32 s14, s11;
	[sflag:s9] =	ssyncadd.s32 $0xFFFF8000  }
0x4f: {  	[hbm4b:s11+s2] =	stream.linear.scatter [tilespmem:s6], [sflag:$0x4], $0x8000, $0x38;
	[tilespmem:$0x10100] =	vst v63  }
0x50: {  	_ =	swait.ge [sflag:s10], $0x8000  }
0x51: {  	s15 =	sor.u32 $0x7000, s31;
	[sflag:s10] =	ssyncset.done $0x0  }
0x52: {  	s12 =	sadd.s32 s29, s15;
	[sflag:s10] =	ssyncadd.s32 $0xFFFF8000  }
0x53: {  	[tilespmem:s6], [sflag:$0x2] =	stream.linear.gather [hbm4b:s12+s2], $0x8000, $0x38;
	[tilespmem:$0x10100] =	vst v63  }
0x54: {  	_ =	swait.ge [sflag:s7], $0x8000  }
0x55: {  	[sflag:s7] =	ssyncset.done $0x0  }
0x56: {  	s13 =	sadd.s32 s14, s13;
	[sflag:s7] =	ssyncadd.s32 $0xFFFF8000  }
0x57: {  	[hbm4b:s13+s2] =	stream.linear.scatter [tilespmem:s2], [sflag:$0x3], $0x8000, $0x38;
	[tilespmem:$0x10100] =	vst v63  }
0x58: {  	_ =	swait.ge [sflag:s8], $0x8000  }
0x59: {  	s17 =	sor.u32 $0x8000, s31;
	[sflag:s8] =	ssyncset.done $0x0  }
0x5a: {  	s3 =	smov.u32 s14;
	s14 =	sadd.s32 s29, s17;
	[sflag:s8] =	ssyncadd.s32 $0xFFFF8000  }
0x5b: {  	[tilespmem:s2], [sflag:$0x1] =	stream.linear.gather [hbm4b:s14+s2], $0x8000, $0x38;
	[tilespmem:$0x10100] =	vst v63  }
0x5c: {  	_ =	swait.ge [sflag:s9], $0x8000  }
0x5d: {  	[sflag:s9] =	ssyncset.done $0x0  }
0x5e: {  	s15 =	sadd.s32 s3, s15;
	[sflag:s9] =	ssyncadd.s32 $0xFFFF8000  }
0x5f: {  	[hbm4b:s15+s2] =	stream.linear.scatter [tilespmem:s6], [sflag:$0x4], $0x8000, $0x38;
	[tilespmem:$0x10100] =	vst v63  }
0x60: {  	_ =	swait.ge [sflag:s10], $0x8000  }
0x61: {  	s19 =	sor.u32 $0x9000, s31;
	[sflag:s10] =	ssyncset.done $0x0  }
0x62: {  	s16 =	sadd.s32 s29, s19;
	[sflag:s10] =	ssyncadd.s32 $0xFFFF8000  }
0x63: {  	[tilespmem:s6], [sflag:$0x2] =	stream.linear.gather [hbm4b:s16+s2], $0x8000, $0x38;
	[tilespmem:$0x10100] =	vst v63  }
0x64: {  	_ =	swait.ge [sflag:s7], $0x8000  }
0x65: {  	[sflag:s7] =	ssyncset.done $0x0  }
0x66: {  	s17 =	sadd.s32 s3, s17;
	[sflag:s7] =	ssyncadd.s32 $0xFFFF8000  }
0x67: {  	[hbm4b:s17+s2] =	stream.linear.scatter [tilespmem:s2], [sflag:$0x3], $0x8000, $0x38;
	[tilespmem:$0x10100] =	vst v63  }
0x68: {  	_ =	swait.ge [sflag:s8], $0x8000  }
0x69: {  	s21 =	sor.u32 $0xA000, s31;
	[sflag:s8] =	ssyncset.done $0x0  }
0x6a: {  	s18 =	sadd.s32 s29, s21;
	[sflag:s8] =	ssyncadd.s32 $0xFFFF8000  }
0x6b: {  	[tilespmem:s2], [sflag:$0x1] =	stream.linear.gather [hbm4b:s18+s2], $0x8000, $0x38;
	[tilespmem:$0x10100] =	vst v63  }
0x6c: {  	_ =	swait.ge [sflag:s9], $0x8000  }
0x6d: {  	[sflag:s9] =	ssyncset.done $0x0  }
0x6e: {  	s19 =	sadd.s32 s3, s19;
	[sflag:s9] =	ssyncadd.s32 $0xFFFF8000  }
0x6f: {  	[hbm4b:s19+s2] =	stream.linear.scatter [tilespmem:s6], [sflag:$0x4], $0x8000, $0x38;
	[tilespmem:$0x10100] =	vst v63  }
0x70: {  	_ =	swait.ge [sflag:s10], $0x8000  }
0x71: {  	s23 =	sor.u32 $0xB000, s31;
	[sflag:s10] =	ssyncset.done $0x0  }
0x72: {  	s20 =	sadd.s32 s29, s23;
	[sflag:s10] =	ssyncadd.s32 $0xFFFF8000  }
0x73: {  	[tilespmem:s6], [sflag:$0x2] =	stream.linear.gather [hbm4b:s20+s2], $0x8000, $0x38;
	[tilespmem:$0x10100] =	vst v63  }
0x74: {  	_ =	swait.ge [sflag:s7], $0x8000  }
0x75: {  	[sflag:s7] =	ssyncset.done $0x0  }
0x76: {  	s21 =	sadd.s32 s3, s21;
	[sflag:s7] =	ssyncadd.s32 $0xFFFF8000  }
0x77: {  	[hbm4b:s21+s2] =	stream.linear.scatter [tilespmem:s2], [sflag:$0x3], $0x8000, $0x38;
	[tilespmem:$0x10100] =	vst v63  }
0x78: {  	_ =	swait.ge [sflag:s8], $0x8000  }
0x79: {  	s25 =	sor.u32 $0xC000, s31;
	[sflag:s8] =	ssyncset.done $0x0  }
0x7a: {  	s22 =	sadd.s32 s29, s25;
	[sflag:s8] =	ssyncadd.s32 $0xFFFF8000  }
0x7b: {  	[tilespmem:s2], [sflag:$0x1] =	stream.linear.gather [hbm4b:s22+s2], $0x8000, $0x38;
	[tilespmem:$0x10100] =	vst v63  }
0x7c: {  	_ =	swait.ge [sflag:s9], $0x8000  }
0x7d: {  	[sflag:s9] =	ssyncset.done $0x0  }
0x7e: {  	s23 =	sadd.s32 s3, s23;
	[sflag:s9] =	ssyncadd.s32 $0xFFFF8000  }
0x7f: {  	[hbm4b:s23+s2] =	stream.linear.scatter [tilespmem:s6], [sflag:$0x4], $0x8000, $0x38;
	[tilespmem:$0x10100] =	vst v63  }
0x80: {  	_ =	swait.ge [sflag:s10], $0x8000  }
0x81: {  	s28 =	sor.u32 $0xD000, s31;
	[sflag:s10] =	ssyncset.done $0x0  }
0x82: {  	s24 =	sadd.s32 s29, s28;
	[sflag:s10] =	ssyncadd.s32 $0xFFFF8000  }
0x83: {  	[tilespmem:s6], [sflag:$0x2] =	stream.linear.gather [hbm4b:s24+s2], $0x8000, $0x38;
	[tilespmem:$0x10100] =	vst v63  }
0x84: {  	_ =	swait.ge [sflag:s7], $0x8000  }
0x85: {  	[sflag:s7] =	ssyncset.done $0x0  }
0x86: {  	s25 =	sadd.s32 s3, s25;
	[sflag:s7] =	ssyncadd.s32 $0xFFFF8000  }
0x87: {  	[hbm4b:s25+s2] =	stream.linear.scatter [tilespmem:s2], [sflag:$0x3], $0x8000, $0x38;
	[tilespmem:$0x10100] =	vst v63  }
0x88: {  	_ =	swait.ge [sflag:s8], $0x8000  }
0x89: {  	s1 =	sor.u32 $0xE000, s31;
	[sflag:s8] =	ssyncset.done $0x0  }
0x8a: {  	s26 =	sadd.s32 s29, s1;
	[sflag:s8] =	ssyncadd.s32 $0xFFFF8000  }
0x8b: {  	[tilespmem:s2], [sflag:$0x1] =	stream.linear.gather [hbm4b:s26+s2], $0x8000, $0x38;
	[tilespmem:$0x10100] =	vst v63  }
0x8c: {  	_ =	swait.ge [sflag:s9], $0x8000  }
0x8d: {  	[sflag:s9] =	ssyncset.done $0x0  }
0x8e: {  	s28 =	sadd.s32 s3, s28;
	[sflag:s9] =	ssyncadd.s32 $0xFFFF8000  }
0x8f: {  	[hbm4b:s28+s2] =	stream.linear.scatter [tilespmem:s6], [sflag:$0x4], $0x8000, $0x38;
	[tilespmem:$0x10100] =	vst v63  }
0x90: {  	s0 =	ssub.s32 $0x2, s30;
	_ =	swait.ge [sflag:s10], $0x8000  }
0x91: {  	s30 =	sadd.s32 s3, s1;
	s31 =	sor.u32 $0xF000, s31;
	[sflag:s10] =	ssyncset.done $0x0  }
0x92: {  	s29 =	sadd.s32 s29, s31;
	s1 =	sshrl.u32 s0, $0x1;
	[sflag:s10] =	ssyncadd.s32 $0xFFFF8000  }
0x93: {  	[tilespmem:s6], [sflag:$0x2] =	stream.linear.gather [hbm4b:s29+s2], $0x8000, $0x38;
	[tilespmem:$0x10100] =	vst v63  }
0x94: {  	s0 =	ssub.s32 s0, s1;
	_ =	swait.ge [sflag:s7], $0x8000  }
0x95: {  	s0 =	smax.u32 s0, $0x1;
	[sflag:s7] =	ssyncset.done $0x0  }
0x96: {  	s0 =	sadd.s32 $0xFFFFFFFF, s0;
	[sflag:s7] =	ssyncadd.s32 $0xFFFF8000  }
0x97: {  	[hbm4b:s30+s2] =	stream.linear.scatter [tilespmem:s2], [sflag:$0x3], $0x8000, $0x38;
	[tilespmem:$0x10100] =	vst v63  }
0x98: {  	p1 =	sne.s32 s0, $0x0;
	_ =	swait.ge [sflag:s9], $0x8000  }
.Ltmp0:
0x99: {  	[sflag:s9] =	ssyncset.done $0x0;
	(pc) =	sbr.rel @!p1 .LBB2_2-.Ltmp0, $4  }
0x9a: {  	s31 =	sadd.s32 s3, s31;
	[sflag:s9] =	ssyncadd.s32 $0xFFFF8000  }
0x9b: {  	[hbm4b:s31+s2] =	stream.linear.scatter [tilespmem:s6], [sflag:$0x4], $0x8000, $0x38;
	[tilespmem:$0x10100] =	vst v63  }
0x9c: {  	_ =	swait.ge [sflag:s8], $0x8000  }
0x9d: {  	s4 =	simm.s32 @!p0 $0x10000;
	[sflag:s8] =	ssyncset.done $0x0  }
.LBB2_1:
0x9e: {  	[sflag:s8] =	ssyncadd.s32 $0xFFFF8000  }
0x9f: {  	_ =	swait.ge [sflag:s10], $0x8000  }
0xa0: {  	[sflag:s10] =	ssyncset.done $0x0  }
0xa1: {  	s3 =	simm.s32 @!p0 $0x0;
	s1 =	rddreg [dreg:$0x4];
	[sflag:s10] =	ssyncadd.s32 $0xFFFF8000  }
0xa2: {  	[tilespmem:s4], [sflag:$0x5] =	stream.linear.gather @!p0 [hbm4b:s1+s3], $0x100, $0x38;
	[tilespmem:$0x10100] =	vst v63  }
0xa3: {  	_ =	swait.ge @!p0 [sflag:s5], $0x100  }
0xa4: {  	[sflag:s5] =	ssyncset.done @!p0 $0x0  }
0xa5: {  	s1 =	rddreg [dreg:$0x5];
	[sflag:s5] =	ssyncadd.s32 @!p0 $0xFFFFFF00  }
0xa6: {  	[tilespmem:s2], [sflag:$0x1] =	stream.linear.gather [hbm4b:s1+s2], $0x8000, $0x38;
	[tilespmem:$0x10100] =	vst v63  }
0xa7: {  	s3 =	rddreg [dreg:$0x6]  }
0xa8: {  	[tilespmem:s6], [sflag:$0x2] =	stream.linear.gather [hbm4b:s3+s2], $0x8000, $0x38;
	[tilespmem:$0x10100] =	vst v63  }
0xa9: {  	_ =	swait.ge [sflag:s7], $0x8000  }
0xaa: {  	[sflag:s7] =	ssyncset.done $0x0  }
0xab: {  	[sflag:s7] =	ssyncadd.s32 $0xFFFF8000  }
0xac: {  	v0 =	vld @!p0 [tilespmem:$0x10080]  }
0xad: {  	v1 =	vld @!p0 [tilespmem:$0x0]  }
0xae: {  	v2 =	vld @!p0 [tilespmem:$0x80]  }
0xaf: {  	v3 =	vld @!p0 [tilespmem:$0x10000];
	_ =	sdelay $0x3  }
0xb0: {  	v0 =	vadd.f32 @!p0 v0, v2  }
0xb1: {  	v1 =	vadd.f32 @!p0 v3, v1  }
0xb2: {  	[tilespmem:$0x80] =	vst @!p0 v0  }
0xb3: {  	s3 =	rddreg [dreg:$0x7];
	[tilespmem:$0x0] =	vst @!p0 v1  }
0xb4: {  	[hbm4b:s3+s2] =	stream.linear.scatter [tilespmem:s2], [sflag:$0x3], $0x8000, $0x38;
	[tilespmem:$0x10100] =	vst v63  }
0xb5: {  	_ =	swait.ge [sflag:s8], $0x8000  }
0xb6: {  	[sflag:s8] =	ssyncset.done $0x0  }
0xb7: {  	s3 =	rddreg [dreg:$0x8];
	[sflag:s8] =	ssyncadd.s32 $0xFFFF8000  }
0xb8: {  	[tilespmem:s2], [sflag:$0x1] =	stream.linear.gather [hbm4b:s3+s2], $0x8000, $0x38;
	[tilespmem:$0x10100] =	vst v63  }
0xb9: {  	_ =	swait.ge [sflag:s9], $0x8000  }
0xba: {  	[sflag:s9] =	ssyncset.done $0x0  }
0xbb: {  	s3 =	rddreg [dreg:$0x9];
	[sflag:s9] =	ssyncadd.s32 $0xFFFF8000  }
0xbc: {  	[hbm4b:s3+s2] =	stream.linear.scatter [tilespmem:s6], [sflag:$0x4], $0x8000, $0x38;
	[tilespmem:$0x10100] =	vst v63  }
0xbd: {  	_ =	swait.ge [sflag:s10], $0x8000  }
0xbe: {  	[sflag:s10] =	ssyncset.done $0x0  }
0xbf: {  	s3 =	rddreg [dreg:$0xa];
	[sflag:s10] =	ssyncadd.s32 $0xFFFF8000  }
0xc0: {  	[tilespmem:s6], [sflag:$0x2] =	stream.linear.gather [hbm4b:s3+s2], $0x8000, $0x38;
	[tilespmem:$0x10100] =	vst v63  }
0xc1: {  	_ =	swait.ge [sflag:s7], $0x8000  }
0xc2: {  	[sflag:s7] =	ssyncset.done $0x0  }
0xc3: {  	s3 =	rddreg [dreg:$0xb];
	[sflag:s7] =	ssyncadd.s32 $0xFFFF8000  }
0xc4: {  	[hbm4b:s3+s2] =	stream.linear.scatter [tilespmem:s2], [sflag:$0x3], $0x8000, $0x38;
	[tilespmem:$0x10100] =	vst v63  }
0xc5: {  	_ =	swait.ge [sflag:s8], $0x8000  }
0xc6: {  	[sflag:s8] =	ssyncset.done $0x0  }
0xc7: {  	s3 =	rddreg [dreg:$0xc];
	[sflag:s8] =	ssyncadd.s32 $0xFFFF8000  }
0xc8: {  	[tilespmem:s2], [sflag:$0x1] =	stream.linear.gather [hbm4b:s3+s2], $0x8000, $0x38;
	[tilespmem:$0x10100] =	vst v63  }
0xc9: {  	_ =	swait.ge [sflag:s9], $0x8000  }
0xca: {  	[sflag:s9] =	ssyncset.done $0x0  }
0xcb: {  	s3 =	rddreg [dreg:$0xd];
	[sflag:s9] =	ssyncadd.s32 $0xFFFF8000  }
0xcc: {  	[hbm4b:s3+s2] =	stream.linear.scatter [tilespmem:s6], [sflag:$0x4], $0x8000, $0x38;
	[tilespmem:$0x10100] =	vst v63  }
0xcd: {  	_ =	swait.ge [sflag:s10], $0x8000  }
0xce: {  	[sflag:s10] =	ssyncset.done $0x0  }
0xcf: {  	s3 =	rddreg [dreg:$0xe];
	[sflag:s10] =	ssyncadd.s32 $0xFFFF8000  }
0xd0: {  	[tilespmem:s6], [sflag:$0x2] =	stream.linear.gather [hbm4b:s3+s2], $0x8000, $0x38;
	[tilespmem:$0x10100] =	vst v63  }
0xd1: {  	_ =	swait.ge [sflag:s7], $0x8000  }
0xd2: {  	[sflag:s7] =	ssyncset.done $0x0  }
0xd3: {  	s3 =	rddreg [dreg:$0xf];
	[sflag:s7] =	ssyncadd.s32 $0xFFFF8000  }
0xd4: {  	[hbm4b:s3+s2] =	stream.linear.scatter [tilespmem:s2], [sflag:$0x3], $0x8000, $0x38;
	[tilespmem:$0x10100] =	vst v63  }
0xd5: {  	_ =	swait.ge [sflag:s8], $0x8000  }
0xd6: {  	[sflag:s8] =	ssyncset.done $0x0  }
0xd7: {  	s3 =	rddreg [dreg:$0x10];
	[sflag:s8] =	ssyncadd.s32 $0xFFFF8000  }
0xd8: {  	[tilespmem:s2], [sflag:$0x1] =	stream.linear.gather [hbm4b:s3+s2], $0x8000, $0x38;
	[tilespmem:$0x10100] =	vst v63  }
0xd9: {  	_ =	swait.ge [sflag:s9], $0x8000  }
0xda: {  	[sflag:s9] =	ssyncset.done $0x0  }
0xdb: {  	[sflag:s9] =	ssyncadd.s32 $0xFFFF8000  }
0xdc: {  	[hbm4b:s11+s2] =	stream.linear.scatter [tilespmem:s6], [sflag:$0x4], $0x8000, $0x38;
	[tilespmem:$0x10100] =	vst v63  }
0xdd: {  	_ =	swait.ge [sflag:s10], $0x8000  }
0xde: {  	[sflag:s10] =	ssyncset.done $0x0  }
0xdf: {  	[sflag:s10] =	ssyncadd.s32 $0xFFFF8000  }
0xe0: {  	[tilespmem:s6], [sflag:$0x2] =	stream.linear.gather [hbm4b:s12+s2], $0x8000, $0x38;
	[tilespmem:$0x10100] =	vst v63  }
0xe1: {  	_ =	swait.ge [sflag:s7], $0x8000  }
0xe2: {  	[sflag:s7] =	ssyncset.done $0x0  }
0xe3: {  	[sflag:s7] =	ssyncadd.s32 $0xFFFF8000  }
0xe4: {  	[hbm4b:s13+s2] =	stream.linear.scatter [tilespmem:s2], [sflag:$0x3], $0x8000, $0x38;
	[tilespmem:$0x10100] =	vst v63  }
0xe5: {  	_ =	swait.ge [sflag:s8], $0x8000  }
0xe6: {  	[sflag:s8] =	ssyncset.done $0x0  }
0xe7: {  	[sflag:s8] =	ssyncadd.s32 $0xFFFF8000  }
0xe8: {  	[tilespmem:s2], [sflag:$0x1] =	stream.linear.gather [hbm4b:s14+s2], $0x8000, $0x38;
	[tilespmem:$0x10100] =	vst v63  }
0xe9: {  	_ =	swait.ge [sflag:s9], $0x8000  }
0xea: {  	[sflag:s9] =	ssyncset.done $0x0  }
0xeb: {  	[sflag:s9] =	ssyncadd.s32 $0xFFFF8000  }
0xec: {  	[hbm4b:s15+s2] =	stream.linear.scatter [tilespmem:s6], [sflag:$0x4], $0x8000, $0x38;
	[tilespmem:$0x10100] =	vst v63  }
0xed: {  	_ =	swait.ge [sflag:s10], $0x8000  }
0xee: {  	[sflag:s10] =	ssyncset.done $0x0  }
0xef: {  	[sflag:s10] =	ssyncadd.s32 $0xFFFF8000  }
0xf0: {  	[tilespmem:s6], [sflag:$0x2] =	stream.linear.gather [hbm4b:s16+s2], $0x8000, $0x38;
	[tilespmem:$0x10100] =	vst v63  }
0xf1: {  	_ =	swait.ge [sflag:s7], $0x8000  }
0xf2: {  	[sflag:s7] =	ssyncset.done $0x0  }
0xf3: {  	[sflag:s7] =	ssyncadd.s32 $0xFFFF8000  }
0xf4: {  	[hbm4b:s17+s2] =	stream.linear.scatter [tilespmem:s2], [sflag:$0x3], $0x8000, $0x38;
	[tilespmem:$0x10100] =	vst v63  }
0xf5: {  	_ =	swait.ge [sflag:s8], $0x8000  }
0xf6: {  	[sflag:s8] =	ssyncset.done $0x0  }
0xf7: {  	[sflag:s8] =	ssyncadd.s32 $0xFFFF8000  }
0xf8: {  	[tilespmem:s2], [sflag:$0x1] =	stream.linear.gather [hbm4b:s18+s2], $0x8000, $0x38;
	[tilespmem:$0x10100] =	vst v63  }
0xf9: {  	_ =	swait.ge [sflag:s9], $0x8000  }
0xfa: {  	[sflag:s9] =	ssyncset.done $0x0  }
0xfb: {  	[sflag:s9] =	ssyncadd.s32 $0xFFFF8000  }
0xfc: {  	[hbm4b:s19+s2] =	stream.linear.scatter [tilespmem:s6], [sflag:$0x4], $0x8000, $0x38;
	[tilespmem:$0x10100] =	vst v63  }
0xfd: {  	_ =	swait.ge [sflag:s10], $0x8000  }
0xfe: {  	[sflag:s10] =	ssyncset.done $0x0  }
0xff: {  	[sflag:s10] =	ssyncadd.s32 $0xFFFF8000  }
0x100: {  	[tilespmem:s6], [sflag:$0x2] =	stream.linear.gather [hbm4b:s20+s2], $0x8000, $0x38;
	[tilespmem:$0x10100] =	vst v63  }
0x101: {  	_ =	swait.ge [sflag:s7], $0x8000  }
0x102: {  	[sflag:s7] =	ssyncset.done $0x0  }
0x103: {  	[sflag:s7] =	ssyncadd.s32 $0xFFFF8000  }
0x104: {  	[hbm4b:s21+s2] =	stream.linear.scatter [tilespmem:s2], [sflag:$0x3], $0x8000, $0x38;
	[tilespmem:$0x10100] =	vst v63  }
0x105: {  	_ =	swait.ge [sflag:s8], $0x8000  }
0x106: {  	[sflag:s8] =	ssyncset.done $0x0  }
0x107: {  	[sflag:s8] =	ssyncadd.s32 $0xFFFF8000  }
0x108: {  	[tilespmem:s2], [sflag:$0x1] =	stream.linear.gather [hbm4b:s22+s2], $0x8000, $0x38;
	[tilespmem:$0x10100] =	vst v63  }
0x109: {  	_ =	swait.ge [sflag:s9], $0x8000  }
0x10a: {  	[sflag:s9] =	ssyncset.done $0x0  }
0x10b: {  	[sflag:s9] =	ssyncadd.s32 $0xFFFF8000  }
0x10c: {  	[hbm4b:s23+s2] =	stream.linear.scatter [tilespmem:s6], [sflag:$0x4], $0x8000, $0x38;
	[tilespmem:$0x10100] =	vst v63  }
0x10d: {  	_ =	swait.ge [sflag:s10], $0x8000  }
0x10e: {  	[sflag:s10] =	ssyncset.done $0x0  }
0x10f: {  	[sflag:s10] =	ssyncadd.s32 $0xFFFF8000  }
0x110: {  	[tilespmem:s6], [sflag:$0x2] =	stream.linear.gather [hbm4b:s24+s2], $0x8000, $0x38;
	[tilespmem:$0x10100] =	vst v63  }
0x111: {  	_ =	swait.ge [sflag:s7], $0x8000  }
0x112: {  	[sflag:s7] =	ssyncset.done $0x0  }
0x113: {  	[sflag:s7] =	ssyncadd.s32 $0xFFFF8000  }
0x114: {  	[hbm4b:s25+s2] =	stream.linear.scatter [tilespmem:s2], [sflag:$0x3], $0x8000, $0x38;
	[tilespmem:$0x10100] =	vst v63  }
0x115: {  	_ =	swait.ge [sflag:s8], $0x8000  }
0x116: {  	[sflag:s8] =	ssyncset.done $0x0  }
0x117: {  	[sflag:s8] =	ssyncadd.s32 $0xFFFF8000  }
0x118: {  	[tilespmem:s2], [sflag:$0x1] =	stream.linear.gather [hbm4b:s26+s2], $0x8000, $0x38;
	[tilespmem:$0x10100] =	vst v63  }
0x119: {  	_ =	swait.ge [sflag:s9], $0x8000  }
0x11a: {  	[sflag:s9] =	ssyncset.done $0x0  }
0x11b: {  	[sflag:s9] =	ssyncadd.s32 $0xFFFF8000  }
0x11c: {  	[hbm4b:s28+s2] =	stream.linear.scatter [tilespmem:s6], [sflag:$0x4], $0x8000, $0x38;
	[tilespmem:$0x10100] =	vst v63  }
0x11d: {  	_ =	swait.ge [sflag:s10], $0x8000  }
0x11e: {  	[sflag:s10] =	ssyncset.done $0x0  }
0x11f: {  	[sflag:s10] =	ssyncadd.s32 $0xFFFF8000  }
0x120: {  	[tilespmem:s6], [sflag:$0x2] =	stream.linear.gather [hbm4b:s29+s2], $0x8000, $0x38;
	[tilespmem:$0x10100] =	vst v63  }
0x121: {  	_ =	swait.ge [sflag:s7], $0x8000  }
0x122: {  	[sflag:s7] =	ssyncset.done $0x0  }
0x123: {  	s0 =	sadd.s32 $0xFFFFFFFF, s0;
	[sflag:s7] =	ssyncadd.s32 $0xFFFF8000  }
0x124: {  	[hbm4b:s30+s2] =	stream.linear.scatter [tilespmem:s2], [sflag:$0x3], $0x8000, $0x38;
	[tilespmem:$0x10100] =	vst v63  }
0x125: {  	p1 =	sne.s32 s0, $0x0;
	_ =	swait.ge [sflag:s9], $0x8000  }
.Ltmp1:
0x126: {  	[sflag:s9] =	ssyncset.done $0x0;
	(pc) =	sbr.rel @p1 .LBB2_1-.Ltmp1, $4  }
0x127: {  	[sflag:s9] =	ssyncadd.s32 $0xFFFF8000  }
0x128: {  	[hbm4b:s31+s2] =	stream.linear.scatter [tilespmem:s6], [sflag:$0x4], $0x8000, $0x38;
	[tilespmem:$0x10100] =	vst v63  }
0x129: {  	_ =	swait.ge [sflag:s8], $0x8000  }
0x12a: {  	[sflag:s8] =	ssyncset.done $0x0  }
.LBB2_2:
0x12b: {  	[sflag:s8] =	ssyncadd.s32 $0xFFFF8000  }
0x12c: {  	_ =	swait.ge [sflag:s10], $0x8000  }
0x12d: {  	[sflag:s10] =	ssyncset.done $0x0  }
0x12e: {  	[sflag:s10] =	ssyncadd.s32 $0xFFFF8000  }
0x12f: {  	_ =	sfence.sel $0x180000  }
0x130: {  	[bflag:$0x0] =	sbarrier.arrive $0xFFFF  }
0x131: {  	_ =	strace $0x90000047  }
0x132: {  	s0 =	stileid.u32;
	[bflag:$0x2] =	sbarrier.arrive $0xFFFF  }
0x133: {  	p0 =	sne.s32 s0, $0x0;
	s0 =	rddreg [dreg:$0x3]  }
0x134: {  	s0 =	sadd.s32 @!p0 $0x100000, s0  }
0x135: {  	[sflag:s0] =	ssyncadd.tile.s32 @!p0 $0x1;
	_ =	shalt  }
.Lfunc_end2:
_tile_overlayer_lowered:
.L_overlay_start_2:
0x136: {  	(tag) =	ssettag $0x2  }
0x137: {  	s0 =	rddreg [dreg:$0x0];
	s2 =	stileid.u32  }
0x138: {  	s1 =	rddreg [dreg:$0x1];
	p0 =	sne.s32 s2, $0x0  }
0x139: {  	s3 =	rddreg [dreg:$0x2];
	[bflag:$0x3] =	sbarrier.arrive $0xFFFF;
	s2 =	simm.s32 @!p0 $0x1C06  }
0x13a: {  	[timem:s3], [sflag:s2] =	dma.local @!p0 [hbm:s0], s1  }
0x13b: {  	s0 =	simm.s32 @!p0 $0x6  }
0x13c: {  	_ =	swait.ge @!p0 [sflag:s0], s1  }
0x13d: {  	s1 =	ssub.s32 @!p0 $0x0, s1;
	[sflag:s0] =	ssyncset.done @!p0 $0x0  }
0x13e: {  	[sflag:s0] =	ssyncadd.s32 @!p0 s1  }
0x13f: {  	[bflag:$0x3] =	sbarrier.arrive $0xFFFF  }
0x140: {  	_ =	shalt  }

</sc_bundles>
